<compile_context>
chip_gen: v7x
topology: tpu7x:2x2x1
jax: 0.10.2.dev20260603
libtpu: 0.0.44.dev20260713+nightly
codegen_flags: <defaults>
</compile_context>

<pallas_src>
import functools

import jax
import jax.numpy as jnp
from jax import lax
from jax.experimental import pallas as pl
from jax.experimental.pallas import tpu as pltpu
from jax.experimental.pallas import tpu_sc as plsc

N_NODES = 10000
N_EDGES = 160000
FEAT = 128
GRID = 4

ROW_BLOCK = 400
KDIM = FEAT * GRID
NCORES = 2
NSUB = 16
EDGES_PER_TILE = N_EDGES // (NCORES * NSUB)
CH = 128
FULL_CHUNKS = EDGES_PER_TILE // CH
TAIL = EDGES_PER_TILE - FULL_CHUNKS * CH
ROWS_PER_TILE = 624
ROWS_EXTRA = N_NODES - NSUB * ROWS_PER_TILE


def _trig_feats(x):
    xr = jnp.repeat(x, GRID, axis=1)
    kpat = (lax.broadcasted_iota(jnp.int32, xr.shape, 1) % GRID + 1
            ).astype(jnp.float32)
    arg = xr * kpat
    c = jnp.cos(arg).astype(jnp.bfloat16).astype(jnp.float32)
    s = jnp.sin(arg).astype(jnp.bfloat16).astype(jnp.float32)
    return c, s


def _kan_apply(x, wc_ref, ws_ref):
    c, s = _trig_feats(x)
    return (jnp.dot(c.astype(jnp.bfloat16), wc_ref[...],
                    preferred_element_type=jnp.float32) +
            jnp.dot(s.astype(jnp.bfloat16), ws_ref[...],
                    preferred_element_type=jnp.float32))


def _tc_kan_body(h_ref, w1c_ref, w1s_ref, wlc_ref, wls_ref, h1_ref, z_ref):
    h1 = _kan_apply(h_ref[...], w1c_ref, w1s_ref)
    h1_ref[...] = h1
    z_ref[...] = _kan_apply(h1, wlc_ref, wls_ref)


def _tc_kan(h, w1c, w1s, wlc, wls):
    nblk = N_NODES // ROW_BLOCK
    wspec = pl.BlockSpec((KDIM, FEAT), lambda i: (0, 0))
    return pl.pallas_call(
        _tc_kan_body,
        grid=(nblk,),
        in_specs=[
            pl.BlockSpec((ROW_BLOCK, FEAT), lambda i: (i, 0)),
            wspec, wspec, wspec, wspec,
        ],
        out_specs=[
            pl.BlockSpec((ROW_BLOCK, FEAT), lambda i: (i, 0)),
            pl.BlockSpec((ROW_BLOCK, FEAT), lambda i: (i, 0)),
        ],
        out_shape=[
            jax.ShapeDtypeStruct((N_NODES, FEAT), jnp.float32),
            jax.ShapeDtypeStruct((N_NODES, FEAT), jnp.float32),
        ],
    )(h, w1c, w1s, wlc, wls)


def _sc_scatter_body(z_hbm, src_hbm, dst_hbm, out_hbm,
                     src_v, dst_v, rows_v, src_t, dst_t, rows_t, m_sh, sem):
    c = lax.axis_index("c")
    s = lax.axis_index("s")

    def zrow(i, carry):
        for j in range(FEAT // 16):
            rows_v[i, pl.ds(j * 16, 16)] = jnp.zeros((16,), jnp.float32)
        return carry
    lax.fori_loop(0, CH, zrow, 0)
    base_r = pl.multiple_of(s * ROWS_PER_TILE, 8)
    off = 0
    while off < ROWS_PER_TILE:
        nn = min(CH, ROWS_PER_TILE - off)
        pltpu.sync_copy(rows_v.at[pl.ds(0, nn)],
                        m_sh.at[pl.ds(base_r + off, nn)])
        off += nn

    @pl.when(s == NSUB - 1)
    def _zero_extra():
        pltpu.sync_copy(rows_v.at[pl.ds(0, ROWS_EXTRA)],
                        m_sh.at[pl.ds(NSUB * ROWS_PER_TILE, ROWS_EXTRA)])
    plsc.subcore_barrier()

    ebase = (c * NSUB + s) * EDGES_PER_TILE

    def body(j, carry):
        base = pl.multiple_of(ebase + j * CH, 8)
        pltpu.sync_copy(src_hbm.at[pl.ds(base, CH)], src_v)
        pltpu.sync_copy(dst_hbm.at[pl.ds(base, CH)], dst_v)
        pltpu.async_copy(z_hbm.at[src_v], rows_v, sem).wait()
        pltpu.sync_copy(rows_v, m_sh.at[dst_v], add=True)
        return carry
    lax.fori_loop(0, FULL_CHUNKS, body, 0)

    if TAIL:
        tbase = pl.multiple_of(ebase + FULL_CHUNKS * CH, 8)
        pltpu.sync_copy(src_hbm.at[pl.ds(tbase, TAIL)], src_t)
        pltpu.sync_copy(dst_hbm.at[pl.ds(tbase, TAIL)], dst_t)
        pltpu.async_copy(z_hbm.at[src_t], rows_t, sem).wait()
        pltpu.sync_copy(rows_t, m_sh.at[dst_t], add=True)

    plsc.subcore_barrier()
    pltpu.sync_copy(m_sh.at[pl.ds(base_r, ROWS_PER_TILE)],
                    out_hbm.at[c].at[pl.ds(base_r, ROWS_PER_TILE)])

    @pl.when(s == NSUB - 1)
    def _write_extra():
        pltpu.sync_copy(m_sh.at[pl.ds(NSUB * ROWS_PER_TILE, ROWS_EXTRA)],
                        out_hbm.at[c].at[pl.ds(NSUB * ROWS_PER_TILE,
                                               ROWS_EXTRA)])


@functools.cache
def _sc_scatter():
    return pl.kernel(
        _sc_scatter_body,
        out_type=jax.ShapeDtypeStruct((NCORES, N_NODES, FEAT), jnp.float32),
        mesh=plsc.VectorSubcoreMesh(core_axis_name="c", subcore_axis_name="s"),
        scratch_types=[
            pltpu.VMEM((CH,), jnp.int32),
            pltpu.VMEM((CH,), jnp.int32),
            pltpu.VMEM((CH, FEAT), jnp.float32),
            pltpu.VMEM((TAIL,), jnp.int32),
            pltpu.VMEM((TAIL,), jnp.int32),
            pltpu.VMEM((TAIL, FEAT), jnp.float32),
            pltpu.VMEM_SHARED((N_NODES, FEAT), jnp.float32),
            pltpu.SemaphoreType.DMA,
        ],
    )


def _tc_final_body(m2_ref, h1_ref, w2c_ref, w2s_ref, b2_ref, out_ref, acc_ref):
    i = pl.program_id(0)

    @pl.when(i == 0)
    def _init():
        acc_ref[...] = jnp.zeros_like(acc_ref)

    t = m2_ref[0] + m2_ref[1] + h1_ref[...]
    h2 = jnp.where(t >= 0, t, jnp.float32(0.01) * t)
    acc_ref[...] += jnp.sum(h2, axis=0, keepdims=True)

    @pl.when(i == pl.num_programs(0) - 1)
    def _readout():
        y = acc_ref[...]
        cy = jnp.cos(y).astype(jnp.bfloat16).astype(jnp.float32)
        sy = jnp.sin(y).astype(jnp.bfloat16).astype(jnp.float32)
        w2c = w2c_ref[...].astype(jnp.bfloat16).astype(jnp.float32)
        w2s = w2s_ref[...].astype(jnp.bfloat16).astype(jnp.float32)
        logits = (jnp.sum(cy * w2c, axis=1, keepdims=True) +
                  jnp.sum(sy * w2s, axis=1, keepdims=True) + b2_ref[...])
        out_ref[...] = jax.nn.sigmoid(logits)


def _tc_final(m2, h1, w2c, w2s, b2):
    nblk = N_NODES // ROW_BLOCK
    return pl.pallas_call(
        _tc_final_body,
        grid=(nblk,),
        in_specs=[
            pl.BlockSpec((NCORES, ROW_BLOCK, FEAT), lambda i: (0, i, 0)),
            pl.BlockSpec((ROW_BLOCK, FEAT), lambda i: (i, 0)),
            pl.BlockSpec((1, FEAT), lambda i: (0, 0)),
            pl.BlockSpec((1, FEAT), lambda i: (0, 0)),
            pl.BlockSpec((1, 1), lambda i: (0, 0)),
        ],
        out_specs=pl.BlockSpec((1, 1), lambda i: (0, 0)),
        out_shape=jax.ShapeDtypeStruct((1, 1), jnp.float32),
        scratch_shapes=[pltpu.VMEM((1, FEAT), jnp.float32)],
    )(m2, h1, w2c, w2s, b2)


def kernel(h, edge_index, W1, Wl, W2, b2):
    src = edge_index[0].astype(jnp.int32)
    dst = edge_index[1].astype(jnp.int32)
    def flat(w):
        return jnp.transpose(w, (1, 2, 0)).reshape(KDIM, FEAT)
    w1c = flat(W1[0]).astype(jnp.bfloat16)
    w1s = flat(W1[1]).astype(jnp.bfloat16)
    wlc = flat(Wl[0]).astype(jnp.bfloat16)
    wls = flat(Wl[1]).astype(jnp.bfloat16)
    w2c = W2[0, :, :, 0]
    w2s = W2[1, :, :, 0]

    h1, z = _tc_kan(h, w1c, w1s, wlc, wls)
    m2 = _sc_scatter()(z, src, dst)
    return _tc_final(m2, h1, w2c, w2s, b2)

# --- scband reference (transcript-rebuilt; emitter-appended) ---
"""Pipeline reference for scband-ka-gnn-two-37142877176048 (READ-ONLY COPY).

The authoritative reference and input builder live on the scoring server;
editing this copy changes nothing except your own understanding.
"""

import jax, jax.numpy as jnp
import numpy as np

N_NODES = 10000
N_EDGES = 160000
IN_FEAT = 128
HIDDEN = 128
OUT = 1
GRID = 4


def kan_linear(x, coeffs, gridsize):
    # x: [B, in], coeffs: [2, out, in, grid]
    k = jnp.arange(1, gridsize + 1, dtype=x.dtype)  # [g]
    arg = x[:, :, None] * k[None, None, :]          # [B, in, g]
    c = jnp.cos(arg)
    s = jnp.sin(arg)
    y = jnp.einsum('big,jig->bj', c, coeffs[0]) + jnp.einsum('big,jig->bj', s, coeffs[1])
    return y


def setup_inputs(seed: int = 0) -> dict:
    key = jax.random.key(seed)
    k1, k2, k3, k4, k5 = jax.random.split(key, 5)
    h = jax.random.normal(k1, (N_NODES, IN_FEAT), dtype=jnp.float32)
    edge_index = jax.random.randint(k2, (2, N_EDGES), 0, N_NODES, dtype=jnp.int64)
    W1 = jax.random.normal(k3, (2, HIDDEN, IN_FEAT, GRID), dtype=jnp.float32) / (np.sqrt(IN_FEAT) * np.sqrt(GRID))
    Wl = jax.random.normal(k4, (2, HIDDEN, HIDDEN, GRID), dtype=jnp.float32) / (np.sqrt(HIDDEN) * np.sqrt(GRID))
    W2 = jax.random.normal(k5, (2, OUT, HIDDEN, 1), dtype=jnp.float32) / (np.sqrt(HIDDEN) * 1.0)
    b2 = jnp.zeros((1, OUT), dtype=jnp.float32)
    return {"h": h, "edge_index": edge_index, "W1": W1, "Wl": Wl, "W2": W2, "b2": b2}


def reference(h, edge_index, W1, Wl, W2, b2):
    # KAN_linear input projection (use_bias=False)
    h1 = kan_linear(h, W1, GRID)                      # [N, HIDDEN]
    # NaiveFourierKANLayer message passing: per-edge Fourier-KAN of src feats, sum at dst
    src = edge_index[0]
    dst = edge_index[1]
    src_feat = h1[src]                                # [E, HIDDEN] gather
    m_e = kan_linear(src_feat, Wl, GRID)              # [E, HIDDEN]
    m = jax.ops.segment_sum(m_e, dst, num_segments=N_NODES)  # scatter-add
    # residual + leaky relu (torch default negative_slope=0.01)
    h2 = jax.nn.leaky_relu(m + h1, negative_slope=0.01)
    # SumPooling over single graph -> [1, HIDDEN]
    y = jnp.sum(h2, axis=0, keepdims=True)
    # Readout: KAN_linear(hidden, out=1, grid=1, addbias=True) + sigmoid
    logits = kan_linear(y, W2, 1) + b2
    out = jax.nn.sigmoid(logits)
    return out

if __name__ == "__main__":
    import jax
    _d = setup_inputs()
    print(jax.jit(kernel)(*tuple(_d.values())))

</pallas_src>

<mosaic_0001>
#map = affine_map<(d0, d1) -> (0, 0)>
#map1 = affine_map<(d0, d1) -> (0)>
#map2 = affine_map<(d0, d1) -> (0, 0, 0)>
module attributes {stable_mosaic.version = 14 : i64} {
  func.func @_sc_scatter_body(%arg0: i32, %arg1: i32, %arg2: memref<10000x128xf32, #tpu.memory_space<hbm>>, %arg3: memref<160000xi32, #tpu.memory_space<hbm>>, %arg4: memref<160000xi32, #tpu.memory_space<hbm>>, %arg5: memref<2x10000x128xf32, #tpu.memory_space<hbm>>, %arg6: memref<128xi32, #tpu.memory_space<vmem>>, %arg7: memref<128xi32, #tpu.memory_space<vmem>>, %arg8: memref<128x128xf32, #tpu.memory_space<vmem>>, %arg9: memref<8xi32, #tpu.memory_space<vmem>>, %arg10: memref<8xi32, #tpu.memory_space<vmem>>, %arg11: memref<8x128xf32, #tpu.memory_space<vmem>>, %arg12: memref<10000x128xf32, #tpu.memory_space<vmem_shared>>, %arg13: memref<!tpu.dma_semaphore, #tpu.memory_space<semaphore_mem>>) attributes {dimension_semantics = [#tpu.dimension_semantics<core_parallel>, #tpu.dimension_semantics<subcore_parallel>], iteration_bounds = array<i64: 2, 16>, scalar_prefetch = 0 : i64, scratch_operands = 8 : i64, tpu.core_type = #tpu.core_type<sc_vector_subcore>, window_params = [{transform_indices = #map}, {transform_indices = #map1}, {transform_indices = #map1}, {transform_indices = #map2}]} {
    %scan3A = arith.constant 0 : i32
    %scan3A_0 = arith.constant 0 : i32
    %scan3A_1 = arith.constant 128 : i32
    %scan3A_2 = arith.addi %scan3A_0, %scan3A_1 : i32
    %scan3A_3 = arith.constant 1 : i32
    scf.for %scan3A_41 = %scan3A_0 to %scan3A_2 step %scan3A_3  : i32 {
      %broadcast_in_dim3A = arith.constant 0.000000e+00 : f32
      %broadcast_in_dim3A_42 = vector.broadcast %broadcast_in_dim3A : f32 to vector<16xf32>
      %swap3A = arith.index_cast %scan3A_41 : i32 to index
      %swap3A_43 = arith.constant 0 : index
      %swap3A_44 = tpu.vector_load %arg8[%swap3A, %swap3A_43] {strides = array<i32>} : memref<128x128xf32, #tpu.memory_space<vmem>>, vector<1x16xf32>,
      %swap3A_45 = vector.shape_cast %swap3A_44 : vector<1x16xf32> to vector<16xf32>
      %swap3A_46 = vector.shape_cast %broadcast_in_dim3A_42 : vector<16xf32> to vector<1x16xf32>
      tpu.vector_store %arg8[%swap3A, %swap3A_43], %swap3A_46 {strides = array<i32>} : memref<128x128xf32, #tpu.memory_space<vmem>>, vector<1x16xf32>,
      %broadcast_in_dim3A_47 = arith.constant 0.000000e+00 : f32
      %broadcast_in_dim3A_48 = vector.broadcast %broadcast_in_dim3A_47 : f32 to vector<16xf32>
      %swap3A_49 = arith.index_cast %scan3A_41 : i32 to index
      %swap3A_50 = arith.constant 16 : index
      %swap3A_51 = tpu.vector_load %arg8[%swap3A_49, %swap3A_50] {strides = array<i32>} : memref<128x128xf32, #tpu.memory_space<vmem>>, vector<1x16xf32>,
      %swap3A_52 = vector.shape_cast %swap3A_51 : vector<1x16xf32> to vector<16xf32>
      %swap3A_53 = vector.shape_cast %broadcast_in_dim3A_48 : vector<16xf32> to vector<1x16xf32>
      tpu.vector_store %arg8[%swap3A_49, %swap3A_50], %swap3A_53 {strides = array<i32>} : memref<128x128xf32, #tpu.memory_space<vmem>>, vector<1x16xf32>,
      %broadcast_in_dim3A_54 = arith.constant 0.000000e+00 : f32
      %broadcast_in_dim3A_55 = vector.broadcast %broadcast_in_dim3A_54 : f32 to vector<16xf32>
      %swap3A_56 = arith.index_cast %scan3A_41 : i32 to index
      %swap3A_57 = arith.constant 32 : index
      %swap3A_58 = tpu.vector_load %arg8[%swap3A_56, %swap3A_57] {strides = array<i32>} : memref<128x128xf32, #tpu.memory_space<vmem>>, vector<1x16xf32>,
      %swap3A_59 = vector.shape_cast %swap3A_58 : vector<1x16xf32> to vector<16xf32>
      %swap3A_60 = vector.shape_cast %broadcast_in_dim3A_55 : vector<16xf32> to vector<1x16xf32>
      tpu.vector_store %arg8[%swap3A_56, %swap3A_57], %swap3A_60 {strides = array<i32>} : memref<128x128xf32, #tpu.memory_space<vmem>>, vector<1x16xf32>,
      %broadcast_in_dim3A_61 = arith.constant 0.000000e+00 : f32
      %broadcast_in_dim3A_62 = vector.broadcast %broadcast_in_dim3A_61 : f32 to vector<16xf32>
      %swap3A_63 = arith.index_cast %scan3A_41 : i32 to index
      %swap3A_64 = arith.constant 48 : index
      %swap3A_65 = tpu.vector_load %arg8[%swap3A_63, %swap3A_64] {strides = array<i32>} : memref<128x128xf32, #tpu.memory_space<vmem>>, vector<1x16xf32>,
      %swap3A_66 = vector.shape_cast %swap3A_65 : vector<1x16xf32> to vector<16xf32>
      %swap3A_67 = vector.shape_cast %broadcast_in_dim3A_62 : vector<16xf32> to vector<1x16xf32>
      tpu.vector_store %arg8[%swap3A_63, %swap3A_64], %swap3A_67 {strides = array<i32>} : memref<128x128xf32, #tpu.memory_space<vmem>>, vector<1x16xf32>,
      %broadcast_in_dim3A_68 = arith.constant 0.000000e+00 : f32
      %broadcast_in_dim3A_69 = vector.broadcast %broadcast_in_dim3A_68 : f32 to vector<16xf32>
      %swap3A_70 = arith.index_cast %scan3A_41 : i32 to index
      %swap3A_71 = arith.constant 64 : index
      %swap3A_72 = tpu.vector_load %arg8[%swap3A_70, %swap3A_71] {strides = array<i32>} : memref<128x128xf32, #tpu.memory_space<vmem>>, vector<1x16xf32>,
      %swap3A_73 = vector.shape_cast %swap3A_72 : vector<1x16xf32> to vector<16xf32>
      %swap3A_74 = vector.shape_cast %broadcast_in_dim3A_69 : vector<16xf32> to vector<1x16xf32>
      tpu.vector_store %arg8[%swap3A_70, %swap3A_71], %swap3A_74 {strides = array<i32>} : memref<128x128xf32, #tpu.memory_space<vmem>>, vector<1x16xf32>,
      %broadcast_in_dim3A_75 = arith.constant 0.000000e+00 : f32
      %broadcast_in_dim3A_76 = vector.broadcast %broadcast_in_dim3A_75 : f32 to vector<16xf32>
      %swap3A_77 = arith.index_cast %scan3A_41 : i32 to index
      %swap3A_78 = arith.constant 80 : index
      %swap3A_79 = tpu.vector_load %arg8[%swap3A_77, %swap3A_78] {strides = array<i32>} : memref<128x128xf32, #tpu.memory_space<vmem>>, vector<1x16xf32>,
      %swap3A_80 = vector.shape_cast %swap3A_79 : vector<1x16xf32> to vector<16xf32>
      %swap3A_81 = vector.shape_cast %broadcast_in_dim3A_76 : vector<16xf32> to vector<1x16xf32>
      tpu.vector_store %arg8[%swap3A_77, %swap3A_78], %swap3A_81 {strides = array<i32>} : memref<128x128xf32, #tpu.memory_space<vmem>>, vector<1x16xf32>,
      %broadcast_in_dim3A_82 = arith.constant 0.000000e+00 : f32
      %broadcast_in_dim3A_83 = vector.broadcast %broadcast_in_dim3A_82 : f32 to vector<16xf32>
      %swap3A_84 = arith.index_cast %scan3A_41 : i32 to index
      %swap3A_85 = arith.constant 96 : index
      %swap3A_86 = tpu.vector_load %arg8[%swap3A_84, %swap3A_85] {strides = array<i32>} : memref<128x128xf32, #tpu.memory_space<vmem>>, vector<1x16xf32>,
      %swap3A_87 = vector.shape_cast %swap3A_86 : vector<1x16xf32> to vector<16xf32>
      %swap3A_88 = vector.shape_cast %broadcast_in_dim3A_83 : vector<16xf32> to vector<1x16xf32>
      tpu.vector_store %arg8[%swap3A_84, %swap3A_85], %swap3A_88 {strides = array<i32>} : memref<128x128xf32, #tpu.memory_space<vmem>>, vector<1x16xf32>,
      %broadcast_in_dim3A_89 = arith.constant 0.000000e+00 : f32
      %broadcast_in_dim3A_90 = vector.broadcast %broadcast_in_dim3A_89 : f32 to vector<16xf32>
      %swap3A_91 = arith.index_cast %scan3A_41 : i32 to index
      %swap3A_92 = arith.constant 112 : index
      %swap3A_93 = tpu.vector_load %arg8[%swap3A_91, %swap3A_92] {strides = array<i32>} : memref<128x128xf32, #tpu.memory_space<vmem>>, vector<1x16xf32>,
      %swap3A_94 = vector.shape_cast %swap3A_93 : vector<1x16xf32> to vector<16xf32>
      %swap3A_95 = vector.shape_cast %broadcast_in_dim3A_90 : vector<16xf32> to vector<1x16xf32>
      tpu.vector_store %arg8[%swap3A_91, %swap3A_92], %swap3A_95 {strides = array<i32>} : memref<128x128xf32, #tpu.memory_space<vmem>>, vector<1x16xf32>,
    }
    %scan3A_4 = arith.constant 128 : i32
    %mul3A = arith.constant 624 : i32
    %mul3A_5 = arith.muli %arg1, %mul3A : i32
    %multiple_of3A = tpu.assume_multiple %mul3A_5, 8 : i32
    %add3A = arith.constant 0 : i32
    %add3A_6 = arith.addi %multiple_of3A, %add3A : i32
    "tpu.region"() ({
      %run_scoped3A = tpu.sem_alloc : memref<!tpu.dma_semaphore, #tpu.memory_space<semaphore_mem>>
      %dma_start3A_41 = arith.constant 0 : i32
      %dma_start3A_42 = arith.constant 0 : i32
      %dma_start3A_43 = tpu.memref_slice %arg8[%dma_start3A_41, %dma_start3A_42] : memref<128x128xf32, #tpu.memory_space<vmem>> -> memref<128x128xf32, #tpu.memory_space<vmem>>
      %dma_start3A_44 = arith.constant 0 : i32
      %dma_start3A_45 = tpu.memref_slice %arg12[%add3A_6, %dma_start3A_44] : memref<10000x128xf32, #tpu.memory_space<vmem_shared>> -> memref<128x128xf32, #tpu.memory_space<vmem_shared>>
      %dma_start3A_46 = arith.constant 0 : i32
      %dma_start3A_47 = tpu.memref_slice %arg12[%add3A_6, %dma_start3A_46] : memref<10000x128xf32, #tpu.memory_space<vmem_shared>> -> memref<128x128xf32, #tpu.memory_space<vmem_shared>>
      %dma_start3A_48 = arith.constant 0 : i32
      %dma_start3A_49 = arith.constant 0 : i32
      %dma_start3A_50 = tpu.memref_slice %arg8[%dma_start3A_48, %dma_start3A_49] : memref<128x128xf32, #tpu.memory_space<vmem>> -> memref<128x128xf32, #tpu.memory_space<vmem>>
      tpu.enqueue_dma source(%dma_start3A_50 : memref<128x128xf32, #tpu.memory_space<vmem>>) target(%dma_start3A_47 : memref<128x128xf32, #tpu.memory_space<vmem_shared>>) target_semaphore(%run_scoped3A : memref<!tpu.dma_semaphore, #tpu.memory_space<semaphore_mem>>)
      %dma_wait3A_51 = arith.constant 0 : i32
      %dma_wait3A_52 = arith.constant 0 : i32
      %dma_wait3A_53 = tpu.memref_slice %arg8[%dma_wait3A_51, %dma_wait3A_52] : memref<128x128xf32, #tpu.memory_space<vmem>> -> memref<128x128xf32, #tpu.memory_space<vmem>>
      %dma_wait3A_54 = arith.constant 0 : i32
      %dma_wait3A_55 = tpu.memref_slice %arg12[%add3A_6, %dma_wait3A_54] : memref<10000x128xf32, #tpu.memory_space<vmem_shared>> -> memref<128x128xf32, #tpu.memory_space<vmem_shared>>
      %dma_wait3A_56 = arith.constant 0 : i32
      %dma_wait3A_57 = tpu.memref_slice %arg12[%add3A_6, %dma_wait3A_56] : memref<10000x128xf32, #tpu.memory_space<vmem_shared>> -> memref<128x128xf32, #tpu.memory_space<vmem_shared>>
      %dma_wait3A_58 = arith.constant 0 : i32
      %dma_wait3A_59 = arith.constant 0 : i32
      %dma_wait3A_60 = tpu.memref_slice %arg8[%dma_wait3A_58, %dma_wait3A_59] : memref<128x128xf32, #tpu.memory_space<vmem>> -> memref<128x128xf32, #tpu.memory_space<vmem>>
      tpu.wait_dma2 semaphore(%run_scoped3A : memref<!tpu.dma_semaphore, #tpu.memory_space<semaphore_mem>>) src(%dma_wait3A_60 : memref<128x128xf32, #tpu.memory_space<vmem>>) dst(%dma_wait3A_57 : memref<128x128xf32, #tpu.memory_space<vmem_shared>>)
      tpu.yield
    }) : () -> ()
    %add3A_7 = arith.constant 128 : i32
    %add3A_8 = arith.addi %multiple_of3A, %add3A_7 : i32
    "tpu.region"() ({
      %run_scoped3A = tpu.sem_alloc : memref<!tpu.dma_semaphore, #tpu.memory_space<semaphore_mem>>
      %dma_start3A_41 = arith.constant 0 : i32
      %dma_start3A_42 = arith.constant 0 : i32
      %dma_start3A_43 = tpu.memref_slice %arg8[%dma_start3A_41, %dma_start3A_42] : memref<128x128xf32, #tpu.memory_space<vmem>> -> memref<128x128xf32, #tpu.memory_space<vmem>>
      %dma_start3A_44 = arith.constant 0 : i32
      %dma_start3A_45 = tpu.memref_slice %arg12[%add3A_8, %dma_start3A_44] : memref<10000x128xf32, #tpu.memory_space<vmem_shared>> -> memref<128x128xf32, #tpu.memory_space<vmem_shared>>
      %dma_start3A_46 = arith.constant 0 : i32
      %dma_start3A_47 = tpu.memref_slice %arg12[%add3A_8, %dma_start3A_46] : memref<10000x128xf32, #tpu.memory_space<vmem_shared>> -> memref<128x128xf32, #tpu.memory_space<vmem_shared>>
      %dma_start3A_48 = arith.constant 0 : i32
      %dma_start3A_49 = arith.constant 0 : i32
      %dma_start3A_50 = tpu.memref_slice %arg8[%dma_start3A_48, %dma_start3A_49] : memref<128x128xf32, #tpu.memory_space<vmem>> -> memref<128x128xf32, #tpu.memory_space<vmem>>
      tpu.enqueue_dma source(%dma_start3A_50 : memref<128x128xf32, #tpu.memory_space<vmem>>) target(%dma_start3A_47 : memref<128x128xf32, #tpu.memory_space<vmem_shared>>) target_semaphore(%run_scoped3A : memref<!tpu.dma_semaphore, #tpu.memory_space<semaphore_mem>>)
      %dma_wait3A_51 = arith.constant 0 : i32
      %dma_wait3A_52 = arith.constant 0 : i32
      %dma_wait3A_53 = tpu.memref_slice %arg8[%dma_wait3A_51, %dma_wait3A_52] : memref<128x128xf32, #tpu.memory_space<vmem>> -> memref<128x128xf32, #tpu.memory_space<vmem>>
      %dma_wait3A_54 = arith.constant 0 : i32
      %dma_wait3A_55 = tpu.memref_slice %arg12[%add3A_8, %dma_wait3A_54] : memref<10000x128xf32, #tpu.memory_space<vmem_shared>> -> memref<128x128xf32, #tpu.memory_space<vmem_shared>>
      %dma_wait3A_56 = arith.constant 0 : i32
      %dma_wait3A_57 = tpu.memref_slice %arg12[%add3A_8, %dma_wait3A_56] : memref<10000x128xf32, #tpu.memory_space<vmem_shared>> -> memref<128x128xf32, #tpu.memory_space<vmem_shared>>
      %dma_wait3A_58 = arith.constant 0 : i32
      %dma_wait3A_59 = arith.constant 0 : i32
      %dma_wait3A_60 = tpu.memref_slice %arg8[%dma_wait3A_58, %dma_wait3A_59] : memref<128x128xf32, #tpu.memory_space<vmem>> -> memref<128x128xf32, #tpu.memory_space<vmem>>
      tpu.wait_dma2 semaphore(%run_scoped3A : memref<!tpu.dma_semaphore, #tpu.memory_space<semaphore_mem>>) src(%dma_wait3A_60 : memref<128x128xf32, #tpu.memory_space<vmem>>) dst(%dma_wait3A_57 : memref<128x128xf32, #tpu.memory_space<vmem_shared>>)
      tpu.yield
    }) : () -> ()
    %add3A_9 = arith.constant 256 : i32
    %add3A_10 = arith.addi %multiple_of3A, %add3A_9 : i32
    "tpu.region"() ({
      %run_scoped3A = tpu.sem_alloc : memref<!tpu.dma_semaphore, #tpu.memory_space<semaphore_mem>>
      %dma_start3A_41 = arith.constant 0 : i32
      %dma_start3A_42 = arith.constant 0 : i32
      %dma_start3A_43 = tpu.memref_slice %arg8[%dma_start3A_41, %dma_start3A_42] : memref<128x128xf32, #tpu.memory_space<vmem>> -> memref<128x128xf32, #tpu.memory_space<vmem>>
      %dma_start3A_44 = arith.constant 0 : i32
      %dma_start3A_45 = tpu.memref_slice %arg12[%add3A_10, %dma_start3A_44] : memref<10000x128xf32, #tpu.memory_space<vmem_shared>> -> memref<128x128xf32, #tpu.memory_space<vmem_shared>>
      %dma_start3A_46 = arith.constant 0 : i32
      %dma_start3A_47 = tpu.memref_slice %arg12[%add3A_10, %dma_start3A_46] : memref<10000x128xf32, #tpu.memory_space<vmem_shared>> -> memref<128x128xf32, #tpu.memory_space<vmem_shared>>
      %dma_start3A_48 = arith.constant 0 : i32
      %dma_start3A_49 = arith.constant 0 : i32
      %dma_start3A_50 = tpu.memref_slice %arg8[%dma_start3A_48, %dma_start3A_49] : memref<128x128xf32, #tpu.memory_space<vmem>> -> memref<128x128xf32, #tpu.memory_space<vmem>>
      tpu.enqueue_dma source(%dma_start3A_50 : memref<128x128xf32, #tpu.memory_space<vmem>>) target(%dma_start3A_47 : memref<128x128xf32, #tpu.memory_space<vmem_shared>>) target_semaphore(%run_scoped3A : memref<!tpu.dma_semaphore, #tpu.memory_space<semaphore_mem>>)
      %dma_wait3A_51 = arith.constant 0 : i32
      %dma_wait3A_52 = arith.constant 0 : i32
      %dma_wait3A_53 = tpu.memref_slice %arg8[%dma_wait3A_51, %dma_wait3A_52] : memref<128x128xf32, #tpu.memory_space<vmem>> -> memref<128x128xf32, #tpu.memory_space<vmem>>
      %dma_wait3A_54 = arith.constant 0 : i32
      %dma_wait3A_55 = tpu.memref_slice %arg12[%add3A_10, %dma_wait3A_54] : memref<10000x128xf32, #tpu.memory_space<vmem_shared>> -> memref<128x128xf32, #tpu.memory_space<vmem_shared>>
      %dma_wait3A_56 = arith.constant 0 : i32
      %dma_wait3A_57 = tpu.memref_slice %arg12[%add3A_10, %dma_wait3A_56] : memref<10000x128xf32, #tpu.memory_space<vmem_shared>> -> memref<128x128xf32, #tpu.memory_space<vmem_shared>>
      %dma_wait3A_58 = arith.constant 0 : i32
      %dma_wait3A_59 = arith.constant 0 : i32
      %dma_wait3A_60 = tpu.memref_slice %arg8[%dma_wait3A_58, %dma_wait3A_59] : memref<128x128xf32, #tpu.memory_space<vmem>> -> memref<128x128xf32, #tpu.memory_space<vmem>>
      tpu.wait_dma2 semaphore(%run_scoped3A : memref<!tpu.dma_semaphore, #tpu.memory_space<semaphore_mem>>) src(%dma_wait3A_60 : memref<128x128xf32, #tpu.memory_space<vmem>>) dst(%dma_wait3A_57 : memref<128x128xf32, #tpu.memory_space<vmem_shared>>)
      tpu.yield
    }) : () -> ()
    %add3A_11 = arith.constant 384 : i32
    %add3A_12 = arith.addi %multiple_of3A, %add3A_11 : i32
    "tpu.region"() ({
      %run_scoped3A = tpu.sem_alloc : memref<!tpu.dma_semaphore, #tpu.memory_space<semaphore_mem>>
      %dma_start3A_41 = arith.constant 0 : i32
      %dma_start3A_42 = arith.constant 0 : i32
      %dma_start3A_43 = tpu.memref_slice %arg8[%dma_start3A_41, %dma_start3A_42] : memref<128x128xf32, #tpu.memory_space<vmem>> -> memref<128x128xf32, #tpu.memory_space<vmem>>
      %dma_start3A_44 = arith.constant 0 : i32
      %dma_start3A_45 = tpu.memref_slice %arg12[%add3A_12, %dma_start3A_44] : memref<10000x128xf32, #tpu.memory_space<vmem_shared>> -> memref<128x128xf32, #tpu.memory_space<vmem_shared>>
      %dma_start3A_46 = arith.constant 0 : i32
      %dma_start3A_47 = tpu.memref_slice %arg12[%add3A_12, %dma_start3A_46] : memref<10000x128xf32, #tpu.memory_space<vmem_shared>> -> memref<128x128xf32, #tpu.memory_space<vmem_shared>>
      %dma_start3A_48 = arith.constant 0 : i32
      %dma_start3A_49 = arith.constant 0 : i32
      %dma_start3A_50 = tpu.memref_slice %arg8[%dma_start3A_48, %dma_start3A_49] : memref<128x128xf32, #tpu.memory_space<vmem>> -> memref<128x128xf32, #tpu.memory_space<vmem>>
      tpu.enqueue_dma source(%dma_start3A_50 : memref<128x128xf32, #tpu.memory_space<vmem>>) target(%dma_start3A_47 : memref<128x128xf32, #tpu.memory_space<vmem_shared>>) target_semaphore(%run_scoped3A : memref<!tpu.dma_semaphore, #tpu.memory_space<semaphore_mem>>)
      %dma_wait3A_51 = arith.constant 0 : i32
      %dma_wait3A_52 = arith.constant 0 : i32
      %dma_wait3A_53 = tpu.memref_slice %arg8[%dma_wait3A_51, %dma_wait3A_52] : memref<128x128xf32, #tpu.memory_space<vmem>> -> memref<128x128xf32, #tpu.memory_space<vmem>>
      %dma_wait3A_54 = arith.constant 0 : i32
      %dma_wait3A_55 = tpu.memref_slice %arg12[%add3A_12, %dma_wait3A_54] : memref<10000x128xf32, #tpu.memory_space<vmem_shared>> -> memref<128x128xf32, #tpu.memory_space<vmem_shared>>
      %dma_wait3A_56 = arith.constant 0 : i32
      %dma_wait3A_57 = tpu.memref_slice %arg12[%add3A_12, %dma_wait3A_56] : memref<10000x128xf32, #tpu.memory_space<vmem_shared>> -> memref<128x128xf32, #tpu.memory_space<vmem_shared>>
      %dma_wait3A_58 = arith.constant 0 : i32
      %dma_wait3A_59 = arith.constant 0 : i32
      %dma_wait3A_60 = tpu.memref_slice %arg8[%dma_wait3A_58, %dma_wait3A_59] : memref<128x128xf32, #tpu.memory_space<vmem>> -> memref<128x128xf32, #tpu.memory_space<vmem>>
      tpu.wait_dma2 semaphore(%run_scoped3A : memref<!tpu.dma_semaphore, #tpu.memory_space<semaphore_mem>>) src(%dma_wait3A_60 : memref<128x128xf32, #tpu.memory_space<vmem>>) dst(%dma_wait3A_57 : memref<128x128xf32, #tpu.memory_space<vmem_shared>>)
      tpu.yield
    }) : () -> ()
    %add3A_13 = arith.constant 512 : i32
    %add3A_14 = arith.addi %multiple_of3A, %add3A_13 : i32
    "tpu.region"() ({
      %run_scoped3A = tpu.sem_alloc : memref<!tpu.dma_semaphore, #tpu.memory_space<semaphore_mem>>
      %dma_start3A_41 = arith.constant 0 : i32
      %dma_start3A_42 = arith.constant 0 : i32
      %dma_start3A_43 = tpu.memref_slice %arg8[%dma_start3A_41, %dma_start3A_42] : memref<128x128xf32, #tpu.memory_space<vmem>> -> memref<112x128xf32, #tpu.memory_space<vmem>>
      %dma_start3A_44 = arith.constant 0 : i32
      %dma_start3A_45 = tpu.memref_slice %arg12[%add3A_14, %dma_start3A_44] : memref<10000x128xf32, #tpu.memory_space<vmem_shared>> -> memref<112x128xf32, #tpu.memory_space<vmem_shared>>
      %dma_start3A_46 = arith.constant 0 : i32
      %dma_start3A_47 = tpu.memref_slice %arg12[%add3A_14, %dma_start3A_46] : memref<10000x128xf32, #tpu.memory_space<vmem_shared>> -> memref<112x128xf32, #tpu.memory_space<vmem_shared>>
      %dma_start3A_48 = arith.constant 0 : i32
      %dma_start3A_49 = arith.constant 0 : i32
      %dma_start3A_50 = tpu.memref_slice %arg8[%dma_start3A_48, %dma_start3A_49] : memref<128x128xf32, #tpu.memory_space<vmem>> -> memref<112x128xf32, #tpu.memory_space<vmem>>
      tpu.enqueue_dma source(%dma_start3A_50 : memref<112x128xf32, #tpu.memory_space<vmem>>) target(%dma_start3A_47 : memref<112x128xf32, #tpu.memory_space<vmem_shared>>) target_semaphore(%run_scoped3A : memref<!tpu.dma_semaphore, #tpu.memory_space<semaphore_mem>>)
      %dma_wait3A_51 = arith.constant 0 : i32
      %dma_wait3A_52 = arith.constant 0 : i32
      %dma_wait3A_53 = tpu.memref_slice %arg8[%dma_wait3A_51, %dma_wait3A_52] : memref<128x128xf32, #tpu.memory_space<vmem>> -> memref<112x128xf32, #tpu.memory_space<vmem>>
      %dma_wait3A_54 = arith.constant 0 : i32
      %dma_wait3A_55 = tpu.memref_slice %arg12[%add3A_14, %dma_wait3A_54] : memref<10000x128xf32, #tpu.memory_space<vmem_shared>> -> memref<112x128xf32, #tpu.memory_space<vmem_shared>>
      %dma_wait3A_56 = arith.constant 0 : i32
      %dma_wait3A_57 = tpu.memref_slice %arg12[%add3A_14, %dma_wait3A_56] : memref<10000x128xf32, #tpu.memory_space<vmem_shared>> -> memref<112x128xf32, #tpu.memory_space<vmem_shared>>
      %dma_wait3A_58 = arith.constant 0 : i32
      %dma_wait3A_59 = arith.constant 0 : i32
      %dma_wait3A_60 = tpu.memref_slice %arg8[%dma_wait3A_58, %dma_wait3A_59] : memref<128x128xf32, #tpu.memory_space<vmem>> -> memref<112x128xf32, #tpu.memory_space<vmem>>
      tpu.wait_dma2 semaphore(%run_scoped3A : memref<!tpu.dma_semaphore, #tpu.memory_space<semaphore_mem>>) src(%dma_wait3A_60 : memref<112x128xf32, #tpu.memory_space<vmem>>) dst(%dma_wait3A_57 : memref<112x128xf32, #tpu.memory_space<vmem_shared>>)
      tpu.yield
    }) : () -> ()
    %eq3A = arith.constant 15 : i32
    %eq3A_15 = arith.cmpi eq, %arg1, %eq3A : i32
    %convert_element_type3A = arith.extui %eq3A_15 : i1 to i32
    %cond3A = arith.constant 0 : i32
    %cond3A_16 = arith.cmpi ne, %convert_element_type3A, %cond3A : i32
    scf.if %cond3A_16 {
      "tpu.region"() ({
        %run_scoped3A = tpu.sem_alloc : memref<!tpu.dma_semaphore, #tpu.memory_space<semaphore_mem>>
        %dma_start3A_41 = arith.constant 0 : i32
        %dma_start3A_42 = arith.constant 0 : i32
        %dma_start3A_43 = tpu.memref_slice %arg8[%dma_start3A_41, %dma_start3A_42] : memref<128x128xf32, #tpu.memory_space<vmem>> -> memref<16x128xf32, #tpu.memory_space<vmem>>
        %dma_start3A_44 = arith.constant 9984 : i32
        %dma_start3A_45 = arith.constant 0 : i32
        %dma_start3A_46 = tpu.memref_slice %arg12[%dma_start3A_44, %dma_start3A_45] : memref<10000x128xf32, #tpu.memory_space<vmem_shared>> -> memref<16x128xf32, #tpu.memory_space<vmem_shared>>
        %dma_start3A_47 = arith.constant 9984 : i32
        %dma_start3A_48 = arith.constant 0 : i32
        %dma_start3A_49 = tpu.memref_slice %arg12[%dma_start3A_47, %dma_start3A_48] : memref<10000x128xf32, #tpu.memory_space<vmem_shared>> -> memref<16x128xf32, #tpu.memory_space<vmem_shared>>
        %dma_start3A_50 = arith.constant 0 : i32
        %dma_start3A_51 = arith.constant 0 : i32
        %dma_start3A_52 = tpu.memref_slice %arg8[%dma_start3A_50, %dma_start3A_51] : memref<128x128xf32, #tpu.memory_space<vmem>> -> memref<16x128xf32, #tpu.memory_space<vmem>>
        tpu.enqueue_dma source(%dma_start3A_52 : memref<16x128xf32, #tpu.memory_space<vmem>>) target(%dma_start3A_49 : memref<16x128xf32, #tpu.memory_space<vmem_shared>>) target_semaphore(%run_scoped3A : memref<!tpu.dma_semaphore, #tpu.memory_space<semaphore_mem>>)
        %dma_wait3A_53 = arith.constant 0 : i32
        %dma_wait3A_54 = arith.constant 0 : i32
        %dma_wait3A_55 = tpu.memref_slice %arg8[%dma_wait3A_53, %dma_wait3A_54] : memref<128x128xf32, #tpu.memory_space<vmem>> -> memref<16x128xf32, #tpu.memory_space<vmem>>
        %dma_wait3A_56 = arith.constant 9984 : i32
        %dma_wait3A_57 = arith.constant 0 : i32
        %dma_wait3A_58 = tpu.memref_slice %arg12[%dma_wait3A_56, %dma_wait3A_57] : memref<10000x128xf32, #tpu.memory_space<vmem_shared>> -> memref<16x128xf32, #tpu.memory_space<vmem_shared>>
        %dma_wait3A_59 = arith.constant 9984 : i32
        %dma_wait3A_60 = arith.constant 0 : i32
        %dma_wait3A_61 = tpu.memref_slice %arg12[%dma_wait3A_59, %dma_wait3A_60] : memref<10000x128xf32, #tpu.memory_space<vmem_shared>> -> memref<16x128xf32, #tpu.memory_space<vmem_shared>>
        %dma_wait3A_62 = arith.constant 0 : i32
        %dma_wait3A_63 = arith.constant 0 : i32
        %dma_wait3A_64 = tpu.memref_slice %arg8[%dma_wait3A_62, %dma_wait3A_63] : memref<128x128xf32, #tpu.memory_space<vmem>> -> memref<16x128xf32, #tpu.memory_space<vmem>>
        tpu.wait_dma2 semaphore(%run_scoped3A : memref<!tpu.dma_semaphore, #tpu.memory_space<semaphore_mem>>) src(%dma_wait3A_64 : memref<16x128xf32, #tpu.memory_space<vmem>>) dst(%dma_wait3A_61 : memref<16x128xf32, #tpu.memory_space<vmem_shared>>)
        tpu.yield
      }) : () -> ()
    } else {
    }
    %barrier3A = arith.constant 0 : index
    tpu.barrier barrier_id(%barrier3A)
    %mul3A_17 = arith.constant 16 : i32
    %mul3A_18 = arith.muli %arg0, %mul3A_17 : i32
    %add3A_19 = arith.addi %mul3A_18, %arg1 : i32
    %mul3A_20 = arith.constant 5000 : i32
    %mul3A_21 = arith.muli %add3A_19, %mul3A_20 : i32
    %scan3A_22 = arith.constant 0 : i32
    %scan3A_23 = arith.constant 0 : i32
    %scan3A_24 = arith.constant 39 : i32
    %scan3A_25 = arith.addi %scan3A_23, %scan3A_24 : i32
    %scan3A_26 = arith.constant 1 : i32
    scf.for %scan3A_41 = %scan3A_23 to %scan3A_25 step %scan3A_26  : i32 {
      %mul3A_42 = arith.constant 128 : i32
      %mul3A_43 = arith.muli %scan3A_41, %mul3A_42 : i32
      %add3A_44 = arith.addi %mul3A_21, %mul3A_43 : i32
      %multiple_of3A_45 = tpu.assume_multiple %add3A_44, 8 : i32
      "tpu.region"() ({
        %run_scoped3A = tpu.sem_alloc : memref<!tpu.dma_semaphore, #tpu.memory_space<semaphore_mem>>
        %dma_start3A_52 = tpu.memref_slice %arg3[%multiple_of3A_45] : memref<160000xi32, #tpu.memory_space<hbm>> -> memref<128xi32, #tpu.memory_space<hbm>>
        %dma_start3A_53 = tpu.memref_slice %arg3[%multiple_of3A_45] : memref<160000xi32, #tpu.memory_space<hbm>> -> memref<128xi32, #tpu.memory_space<hbm>>
        tpu.enqueue_dma source(%dma_start3A_53 : memref<128xi32, #tpu.memory_space<hbm>>) target(%arg6 : memref<128xi32, #tpu.memory_space<vmem>>) target_semaphore(%run_scoped3A : memref<!tpu.dma_semaphore, #tpu.memory_space<semaphore_mem>>)
        %dma_wait3A_54 = tpu.memref_slice %arg3[%multiple_of3A_45] : memref<160000xi32, #tpu.memory_space<hbm>> -> memref<128xi32, #tpu.memory_space<hbm>>
        %dma_wait3A_55 = tpu.memref_slice %arg3[%multiple_of3A_45] : memref<160000xi32, #tpu.memory_space<hbm>> -> memref<128xi32, #tpu.memory_space<hbm>>
        tpu.wait_dma2 semaphore(%run_scoped3A : memref<!tpu.dma_semaphore, #tpu.memory_space<semaphore_mem>>) src(%dma_wait3A_55 : memref<128xi32, #tpu.memory_space<hbm>>) dst(%arg6 : memref<128xi32, #tpu.memory_space<vmem>>)
        tpu.yield
      }) : () -> ()
      "tpu.region"() ({
        %run_scoped3A = tpu.sem_alloc : memref<!tpu.dma_semaphore, #tpu.memory_space<semaphore_mem>>
        %dma_start3A_52 = tpu.memref_slice %arg4[%multiple_of3A_45] : memref<160000xi32, #tpu.memory_space<hbm>> -> memref<128xi32, #tpu.memory_space<hbm>>
        %dma_start3A_53 = tpu.memref_slice %arg4[%multiple_of3A_45] : memref<160000xi32, #tpu.memory_space<hbm>> -> memref<128xi32, #tpu.memory_space<hbm>>
        tpu.enqueue_dma source(%dma_start3A_53 : memref<128xi32, #tpu.memory_space<hbm>>) target(%arg7 : memref<128xi32, #tpu.memory_space<vmem>>) target_semaphore(%run_scoped3A : memref<!tpu.dma_semaphore, #tpu.memory_space<semaphore_mem>>)
        %dma_wait3A_54 = tpu.memref_slice %arg4[%multiple_of3A_45] : memref<160000xi32, #tpu.memory_space<hbm>> -> memref<128xi32, #tpu.memory_space<hbm>>
        %dma_wait3A_55 = tpu.memref_slice %arg4[%multiple_of3A_45] : memref<160000xi32, #tpu.memory_space<hbm>> -> memref<128xi32, #tpu.memory_space<hbm>>
        tpu.wait_dma2 semaphore(%run_scoped3A : memref<!tpu.dma_semaphore, #tpu.memory_space<semaphore_mem>>) src(%dma_wait3A_55 : memref<128xi32, #tpu.memory_space<hbm>>) dst(%arg7 : memref<128xi32, #tpu.memory_space<vmem>>)
        tpu.yield
      }) : () -> ()
      %dma_start3A_46 = arith.constant 0 : i32
      %dma_start3A_47 = arith.constant 0 : i32
      %dma_start3A_48 = tpu.memref_slice %arg2[%dma_start3A_46, %dma_start3A_47] : memref<10000x128xf32, #tpu.memory_space<hbm>> -> memref<10000x128xf32, #tpu.memory_space<hbm>>
      tpu.enqueue_indirect_dma source(%dma_start3A_48 : memref<10000x128xf32, #tpu.memory_space<hbm>>) target(%arg8 : memref<128x128xf32, #tpu.memory_space<vmem>>) offsets(%arg6 : memref<128xi32, #tpu.memory_space<vmem>>) semaphore(%arg13 : memref<!tpu.dma_semaphore, #tpu.memory_space<semaphore_mem>>)
      %dma_wait3A_49 = arith.constant 0 : i32
      %dma_wait3A_50 = arith.constant 0 : i32
      %dma_wait3A_51 = tpu.memref_slice %arg2[%dma_wait3A_49, %dma_wait3A_50] : memref<10000x128xf32, #tpu.memory_space<hbm>> -> memref<10000x128xf32, #tpu.memory_space<hbm>>
      tpu.wait_indirect_dma semaphore(%arg13 : memref<!tpu.dma_semaphore, #tpu.memory_space<semaphore_mem>>) src(%dma_wait3A_51 : memref<10000x128xf32, #tpu.memory_space<hbm>>) dst(%arg8 : memref<128x128xf32, #tpu.memory_space<vmem>>)
      "tpu.region"() ({
        %run_scoped3A = tpu.sem_alloc : memref<!tpu.dma_semaphore, #tpu.memory_space<semaphore_mem>>
        %dma_start3A_52 = arith.constant 0 : i32
        %dma_start3A_53 = arith.constant 0 : i32
        %dma_start3A_54 = tpu.memref_slice %arg12[%dma_start3A_52, %dma_start3A_53] : memref<10000x128xf32, #tpu.memory_space<vmem_shared>> -> memref<10000x128xf32, #tpu.memory_space<vmem_shared>>
        tpu.enqueue_indirect_dma source(%arg8 : memref<128x128xf32, #tpu.memory_space<vmem>>) target(%dma_start3A_54 : memref<10000x128xf32, #tpu.memory_space<vmem_shared>>) offsets(%arg7 : memref<128xi32, #tpu.memory_space<vmem>>) semaphore(%run_scoped3A : memref<!tpu.dma_semaphore, #tpu.memory_space<semaphore_mem>>) {add = true}
        %dma_wait3A_55 = arith.constant 0 : i32
        %dma_wait3A_56 = arith.constant 0 : i32
        %dma_wait3A_57 = tpu.memref_slice %arg12[%dma_wait3A_55, %dma_wait3A_56] : memref<10000x128xf32, #tpu.memory_space<vmem_shared>> -> memref<10000x128xf32, #tpu.memory_space<vmem_shared>>
        tpu.wait_indirect_dma semaphore(%run_scoped3A : memref<!tpu.dma_semaphore, #tpu.memory_space<semaphore_mem>>) src(%arg8 : memref<128x128xf32, #tpu.memory_space<vmem>>) dst(%dma_wait3A_57 : memref<10000x128xf32, #tpu.memory_space<vmem_shared>>)
        tpu.yield
      }) : () -> ()
    }
    %scan3A_27 = arith.constant 39 : i32
    %add3A_28 = arith.constant 4992 : i32
    %add3A_29 = arith.addi %mul3A_21, %add3A_28 : i32
    %multiple_of3A_30 = tpu.assume_multiple %add3A_29, 8 : i32
    "tpu.region"() ({
      %run_scoped3A = tpu.sem_alloc : memref<!tpu.dma_semaphore, #tpu.memory_space<semaphore_mem>>
      %dma_start3A_41 = tpu.memref_slice %arg3[%multiple_of3A_30] : memref<160000xi32, #tpu.memory_space<hbm>> -> memref<8xi32, #tpu.memory_space<hbm>>
      %dma_start3A_42 = tpu.memref_slice %arg3[%multiple_of3A_30] : memref<160000xi32, #tpu.memory_space<hbm>> -> memref<8xi32, #tpu.memory_space<hbm>>
      tpu.enqueue_dma source(%dma_start3A_42 : memref<8xi32, #tpu.memory_space<hbm>>) target(%arg9 : memref<8xi32, #tpu.memory_space<vmem>>) target_semaphore(%run_scoped3A : memref<!tpu.dma_semaphore, #tpu.memory_space<semaphore_mem>>)
      %dma_wait3A_43 = tpu.memref_slice %arg3[%multiple_of3A_30] : memref<160000xi32, #tpu.memory_space<hbm>> -> memref<8xi32, #tpu.memory_space<hbm>>
      %dma_wait3A_44 = tpu.memref_slice %arg3[%multiple_of3A_30] : memref<160000xi32, #tpu.memory_space<hbm>> -> memref<8xi32, #tpu.memory_space<hbm>>
      tpu.wait_dma2 semaphore(%run_scoped3A : memref<!tpu.dma_semaphore, #tpu.memory_space<semaphore_mem>>) src(%dma_wait3A_44 : memref<8xi32, #tpu.memory_space<hbm>>) dst(%arg9 : memref<8xi32, #tpu.memory_space<vmem>>)
      tpu.yield
    }) : () -> ()
    "tpu.region"() ({
      %run_scoped3A = tpu.sem_alloc : memref<!tpu.dma_semaphore, #tpu.memory_space<semaphore_mem>>
      %dma_start3A_41 = tpu.memref_slice %arg4[%multiple_of3A_30] : memref<160000xi32, #tpu.memory_space<hbm>> -> memref<8xi32, #tpu.memory_space<hbm>>
      %dma_start3A_42 = tpu.memref_slice %arg4[%multiple_of3A_30] : memref<160000xi32, #tpu.memory_space<hbm>> -> memref<8xi32, #tpu.memory_space<hbm>>
      tpu.enqueue_dma source(%dma_start3A_42 : memref<8xi32, #tpu.memory_space<hbm>>) target(%arg10 : memref<8xi32, #tpu.memory_space<vmem>>) target_semaphore(%run_scoped3A : memref<!tpu.dma_semaphore, #tpu.memory_space<semaphore_mem>>)
      %dma_wait3A_43 = tpu.memref_slice %arg4[%multiple_of3A_30] : memref<160000xi32, #tpu.memory_space<hbm>> -> memref<8xi32, #tpu.memory_space<hbm>>
      %dma_wait3A_44 = tpu.memref_slice %arg4[%multiple_of3A_30] : memref<160000xi32, #tpu.memory_space<hbm>> -> memref<8xi32, #tpu.memory_space<hbm>>
      tpu.wait_dma2 semaphore(%run_scoped3A : memref<!tpu.dma_semaphore, #tpu.memory_space<semaphore_mem>>) src(%dma_wait3A_44 : memref<8xi32, #tpu.memory_space<hbm>>) dst(%arg10 : memref<8xi32, #tpu.memory_space<vmem>>)
      tpu.yield
    }) : () -> ()
    %dma_start3A = arith.constant 0 : i32
    %dma_start3A_31 = arith.constant 0 : i32
    %dma_start3A_32 = tpu.memref_slice %arg2[%dma_start3A, %dma_start3A_31] : memref<10000x128xf32, #tpu.memory_space<hbm>> -> memref<10000x128xf32, #tpu.memory_space<hbm>>
    tpu.enqueue_indirect_dma source(%dma_start3A_32 : memref<10000x128xf32, #tpu.memory_space<hbm>>) target(%arg11 : memref<8x128xf32, #tpu.memory_space<vmem>>) offsets(%arg9 : memref<8xi32, #tpu.memory_space<vmem>>) semaphore(%arg13 : memref<!tpu.dma_semaphore, #tpu.memory_space<semaphore_mem>>)
    %dma_wait3A = arith.constant 0 : i32
    %dma_wait3A_33 = arith.constant 0 : i32
    %dma_wait3A_34 = tpu.memref_slice %arg2[%dma_wait3A, %dma_wait3A_33] : memref<10000x128xf32, #tpu.memory_space<hbm>> -> memref<10000x128xf32, #tpu.memory_space<hbm>>
    tpu.wait_indirect_dma semaphore(%arg13 : memref<!tpu.dma_semaphore, #tpu.memory_space<semaphore_mem>>) src(%dma_wait3A_34 : memref<10000x128xf32, #tpu.memory_space<hbm>>) dst(%arg11 : memref<8x128xf32, #tpu.memory_space<vmem>>)
    "tpu.region"() ({
      %run_scoped3A = tpu.sem_alloc : memref<!tpu.dma_semaphore, #tpu.memory_space<semaphore_mem>>
      %dma_start3A_41 = arith.constant 0 : i32
      %dma_start3A_42 = arith.constant 0 : i32
      %dma_start3A_43 = tpu.memref_slice %arg12[%dma_start3A_41, %dma_start3A_42] : memref<10000x128xf32, #tpu.memory_space<vmem_shared>> -> memref<10000x128xf32, #tpu.memory_space<vmem_shared>>
      tpu.enqueue_indirect_dma source(%arg11 : memref<8x128xf32, #tpu.memory_space<vmem>>) target(%dma_start3A_43 : memref<10000x128xf32, #tpu.memory_space<vmem_shared>>) offsets(%arg10 : memref<8xi32, #tpu.memory_space<vmem>>) semaphore(%run_scoped3A : memref<!tpu.dma_semaphore, #tpu.memory_space<semaphore_mem>>) {add = true}
      %dma_wait3A_44 = arith.constant 0 : i32
      %dma_wait3A_45 = arith.constant 0 : i32
      %dma_wait3A_46 = tpu.memref_slice %arg12[%dma_wait3A_44, %dma_wait3A_45] : memref<10000x128xf32, #tpu.memory_space<vmem_shared>> -> memref<10000x128xf32, #tpu.memory_space<vmem_shared>>
      tpu.wait_indirect_dma semaphore(%run_scoped3A : memref<!tpu.dma_semaphore, #tpu.memory_space<semaphore_mem>>) src(%arg11 : memref<8x128xf32, #tpu.memory_space<vmem>>) dst(%dma_wait3A_46 : memref<10000x128xf32, #tpu.memory_space<vmem_shared>>)
      tpu.yield
    }) : () -> ()
    %barrier3A_35 = arith.constant 0 : index
    tpu.barrier barrier_id(%barrier3A_35)
    "tpu.region"() ({
      %run_scoped3A = tpu.sem_alloc : memref<!tpu.dma_semaphore, #tpu.memory_space<semaphore_mem>>
      %dma_start3A_41 = arith.constant 0 : i32
      %dma_start3A_42 = arith.constant 0 : i32
      %dma_start3A_43 = tpu.memref_slice %arg5[%arg0, %dma_start3A_41, %dma_start3A_42] : memref<2x10000x128xf32, #tpu.memory_space<hbm>> -> memref<1x10000x128xf32, #tpu.memory_space<hbm>>
      %dma_start3A_44 = tpu.memref_squeeze %dma_start3A_43 : memref<1x10000x128xf32, #tpu.memory_space<hbm>> -> memref<10000x128xf32, #tpu.memory_space<hbm>>
      %dma_start3A_45 = arith.constant 0 : i32
      %dma_start3A_46 = tpu.memref_slice %dma_start3A_44[%multiple_of3A, %dma_start3A_45] : memref<10000x128xf32, #tpu.memory_space<hbm>> -> memref<624x128xf32, #tpu.memory_space<hbm>>
      %dma_start3A_47 = arith.constant 0 : i32
      %dma_start3A_48 = tpu.memref_slice %arg12[%multiple_of3A, %dma_start3A_47] : memref<10000x128xf32, #tpu.memory_space<vmem_shared>> -> memref<624x128xf32, #tpu.memory_space<vmem_shared>>
      tpu.enqueue_dma source(%dma_start3A_48 : memref<624x128xf32, #tpu.memory_space<vmem_shared>>) target(%dma_start3A_46 : memref<624x128xf32, #tpu.memory_space<hbm>>) target_semaphore(%run_scoped3A : memref<!tpu.dma_semaphore, #tpu.memory_space<semaphore_mem>>)
      %dma_wait3A_49 = arith.constant 0 : i32
      %dma_wait3A_50 = arith.constant 0 : i32
      %dma_wait3A_51 = tpu.memref_slice %arg5[%arg0, %dma_wait3A_49, %dma_wait3A_50] : memref<2x10000x128xf32, #tpu.memory_space<hbm>> -> memref<1x10000x128xf32, #tpu.memory_space<hbm>>
      %dma_wait3A_52 = tpu.memref_squeeze %dma_wait3A_51 : memref<1x10000x128xf32, #tpu.memory_space<hbm>> -> memref<10000x128xf32, #tpu.memory_space<hbm>>
      %dma_wait3A_53 = arith.constant 0 : i32
      %dma_wait3A_54 = tpu.memref_slice %dma_wait3A_52[%multiple_of3A, %dma_wait3A_53] : memref<10000x128xf32, #tpu.memory_space<hbm>> -> memref<624x128xf32, #tpu.memory_space<hbm>>
      %dma_wait3A_55 = arith.constant 0 : i32
      %dma_wait3A_56 = tpu.memref_slice %arg12[%multiple_of3A, %dma_wait3A_55] : memref<10000x128xf32, #tpu.memory_space<vmem_shared>> -> memref<624x128xf32, #tpu.memory_space<vmem_shared>>
      tpu.wait_dma2 semaphore(%run_scoped3A : memref<!tpu.dma_semaphore, #tpu.memory_space<semaphore_mem>>) src(%dma_wait3A_56 : memref<624x128xf32, #tpu.memory_space<vmem_shared>>) dst(%dma_wait3A_54 : memref<624x128xf32, #tpu.memory_space<hbm>>)
      tpu.yield
    }) : () -> ()
    %eq3A_36 = arith.constant 15 : i32
    %eq3A_37 = arith.cmpi eq, %arg1, %eq3A_36 : i32
    %convert_element_type3A_38 = arith.extui %eq3A_37 : i1 to i32
    %cond3A_39 = arith.constant 0 : i32
    %cond3A_40 = arith.cmpi ne, %convert_element_type3A_38, %cond3A_39 : i32
    scf.if %cond3A_40 {
      "tpu.region"() ({
        %run_scoped3A = tpu.sem_alloc : memref<!tpu.dma_semaphore, #tpu.memory_space<semaphore_mem>>
        %dma_start3A_41 = arith.constant 0 : i32
        %dma_start3A_42 = arith.constant 0 : i32
        %dma_start3A_43 = tpu.memref_slice %arg5[%arg0, %dma_start3A_41, %dma_start3A_42] : memref<2x10000x128xf32, #tpu.memory_space<hbm>> -> memref<1x10000x128xf32, #tpu.memory_space<hbm>>
        %dma_start3A_44 = tpu.memref_squeeze %dma_start3A_43 : memref<1x10000x128xf32, #tpu.memory_space<hbm>> -> memref<10000x128xf32, #tpu.memory_space<hbm>>
        %dma_start3A_45 = arith.constant 9984 : i32
        %dma_start3A_46 = arith.constant 0 : i32
        %dma_start3A_47 = tpu.memref_slice %dma_start3A_44[%dma_start3A_45, %dma_start3A_46] : memref<10000x128xf32, #tpu.memory_space<hbm>> -> memref<16x128xf32, #tpu.memory_space<hbm>>
        %dma_start3A_48 = arith.constant 9984 : i32
        %dma_start3A_49 = arith.constant 0 : i32
        %dma_start3A_50 = tpu.memref_slice %arg12[%dma_start3A_48, %dma_start3A_49] : memref<10000x128xf32, #tpu.memory_space<vmem_shared>> -> memref<16x128xf32, #tpu.memory_space<vmem_shared>>
        tpu.enqueue_dma source(%dma_start3A_50 : memref<16x128xf32, #tpu.memory_space<vmem_shared>>) target(%dma_start3A_47 : memref<16x128xf32, #tpu.memory_space<hbm>>) target_semaphore(%run_scoped3A : memref<!tpu.dma_semaphore, #tpu.memory_space<semaphore_mem>>)
        %dma_wait3A_51 = arith.constant 0 : i32
        %dma_wait3A_52 = arith.constant 0 : i32
        %dma_wait3A_53 = tpu.memref_slice %arg5[%arg0, %dma_wait3A_51, %dma_wait3A_52] : memref<2x10000x128xf32, #tpu.memory_space<hbm>> -> memref<1x10000x128xf32, #tpu.memory_space<hbm>>
        %dma_wait3A_54 = tpu.memref_squeeze %dma_wait3A_53 : memref<1x10000x128xf32, #tpu.memory_space<hbm>> -> memref<10000x128xf32, #tpu.memory_space<hbm>>
        %dma_wait3A_55 = arith.constant 9984 : i32
        %dma_wait3A_56 = arith.constant 0 : i32
        %dma_wait3A_57 = tpu.memref_slice %dma_wait3A_54[%dma_wait3A_55, %dma_wait3A_56] : memref<10000x128xf32, #tpu.memory_space<hbm>> -> memref<16x128xf32, #tpu.memory_space<hbm>>
        %dma_wait3A_58 = arith.constant 9984 : i32
        %dma_wait3A_59 = arith.constant 0 : i32
        %dma_wait3A_60 = tpu.memref_slice %arg12[%dma_wait3A_58, %dma_wait3A_59] : memref<10000x128xf32, #tpu.memory_space<vmem_shared>> -> memref<16x128xf32, #tpu.memory_space<vmem_shared>>
        tpu.wait_dma2 semaphore(%run_scoped3A : memref<!tpu.dma_semaphore, #tpu.memory_space<semaphore_mem>>) src(%dma_wait3A_60 : memref<16x128xf32, #tpu.memory_space<vmem_shared>>) dst(%dma_wait3A_57 : memref<16x128xf32, #tpu.memory_space<hbm>>)
        tpu.yield
      }) : () -> ()
    } else {
    }
    return
  }
}

module attributes {stable_mosaic.version = 14 : i64} {
  func.func @_tc_kan_body(%arg0: i32, %arg1: memref<400x128xf32, #tpu.memory_space<vmem>>, %arg2: memref<512x128xbf16, #tpu.memory_space<vmem>>, %arg3: memref<512x128xbf16, #tpu.memory_space<vmem>>, %arg4: memref<512x128xbf16, #tpu.memory_space<vmem>>, %arg5: memref<512x128xbf16, #tpu.memory_space<vmem>>, %arg6: memref<400x128xf32, #tpu.memory_space<vmem>>, %arg7: memref<400x128xf32, #tpu.memory_space<vmem>>) attributes {dimension_semantics = [#tpu.dimension_semantics<arbitrary>], iteration_bounds = array<i64: 25>, scalar_prefetch = 0 : i64, scratch_operands = 0 : i64, tpu.core_type = #tpu.core_type<tc>, window_params = [{transform_indices = @transform_0, window_bounds = array<i64: 400, 128>}, {pipeline_mode = #tpu.pipeline_mode<synchronous>, transform_indices = @transform_1, window_bounds = array<i64: 512, 128>}, {pipeline_mode = #tpu.pipeline_mode<synchronous>, transform_indices = @transform_2, window_bounds = array<i64: 512, 128>}, {pipeline_mode = #tpu.pipeline_mode<synchronous>, transform_indices = @transform_3, window_bounds = array<i64: 512, 128>}, {pipeline_mode = #tpu.pipeline_mode<synchronous>, transform_indices = @transform_4, window_bounds = array<i64: 512, 128>}, {transform_indices = @transform_5, window_bounds = array<i64: 400, 128>}, {transform_indices = @transform_6, window_bounds = array<i64: 400, 128>}]} {
    %get3A = arith.constant 0 : index
    %get3A_0 = arith.constant 0 : index
    %get3A_1 = vector.load %arg1[%get3A, %get3A_0] : memref<400x128xf32, #tpu.memory_space<vmem>>, vector<400x128xf32>
    %broadcast_in_dim3A = vector.shape_cast %get3A_1 : vector<400x128xf32> to vector<400x128x1xf32>
    %broadcast_in_dim3A_2 = vector.broadcast %broadcast_in_dim3A : vector<400x128x1xf32> to vector<400x128x4xf32>
    %reshape3A = vector.shape_cast %broadcast_in_dim3A_2 : vector<400x128x4xf32> to vector<400x512xf32>
    %iota3A = tpu.iota {dimensions = array<i32: 1>} : vector<400x512xi32>
    %jit3A = arith.constant 4 : i32
    %eq3A = arith.constant 0 : i32
    %eq3A_3 = arith.cmpi eq, %jit3A, %eq3A : i32
    %jit3A_4 = arith.constant 1 : i32
    %select_n3A = arith.select %eq3A_3, %jit3A_4, %jit3A : i32
    %rem3A = vector.broadcast %select_n3A : i32 to vector<400x512xi32>
    %rem3A_5 = arith.remsi %iota3A, %rem3A : vector<400x512xi32>
    %ne3A = arith.constant 0 : i32
    %ne3A_6 = vector.broadcast %ne3A : i32 to vector<400x512xi32>
    %ne3A_7 = arith.cmpi ne, %rem3A_5, %ne3A_6 : vector<400x512xi32>
    %lt3A = arith.constant 0 : i32
    %lt3A_8 = vector.broadcast %lt3A : i32 to vector<400x512xi32>
    %lt3A_9 = arith.cmpi slt, %rem3A_5, %lt3A_8 : vector<400x512xi32>
    %lt3A_10 = arith.constant 0 : i32
    %lt3A_11 = arith.cmpi slt, %select_n3A, %lt3A_10 : i32
    %ne3A_12 = vector.broadcast %lt3A_11 : i1 to vector<400x512xi1>
    %ne3A_13 = vector.broadcast %ne3A_12 : vector<400x512xi1> to vector<400x512xi1>
    %ne3A_14 = arith.xori %lt3A_9, %ne3A_13 : vector<400x512xi1>
    %and3A = arith.andi %ne3A_14, %ne3A_7 : vector<400x512xi1>
    %add3A = vector.broadcast %select_n3A : i32 to vector<400x512xi32>
    %add3A_15 = arith.addi %rem3A_5, %add3A : vector<400x512xi32>
    %select_n3A_16 = arith.select %and3A, %add3A_15, %rem3A_5 : vector<400x512xi1>, vector<400x512xi32>
    %add3A_17 = arith.constant 1 : i32
    %add3A_18 = vector.broadcast %add3A_17 : i32 to vector<400x512xi32>
    %add3A_19 = arith.addi %select_n3A_16, %add3A_18 : vector<400x512xi32>
    %convert_element_type3A = arith.sitofp %add3A_19 : vector<400x512xi32> to vector<400x512xf32>
    %mul3A = arith.mulf %reshape3A, %convert_element_type3A : vector<400x512xf32>
    %cos3A = math.cos %mul3A : vector<400x512xf32>
    %convert_element_type3A_20 = arith.truncf %cos3A : vector<400x512xf32> to vector<400x512xbf16>
    %convert_element_type3A_21 = arith.extf %convert_element_type3A_20 : vector<400x512xbf16> to vector<400x512xf32>
    %sin3A = math.sin %mul3A : vector<400x512xf32>
    %convert_element_type3A_22 = arith.truncf %sin3A : vector<400x512xf32> to vector<400x512xbf16>
    %convert_element_type3A_23 = arith.extf %convert_element_type3A_22 : vector<400x512xbf16> to vector<400x512xf32>
    %convert_element_type3A_24 = arith.truncf %convert_element_type3A_21 : vector<400x512xf32> to vector<400x512xbf16>
    %get3A_25 = arith.constant 0 : index
    %get3A_26 = arith.constant 0 : index
    %get3A_27 = vector.load %arg2[%get3A_25, %get3A_26] : memref<512x128xbf16, #tpu.memory_space<vmem>>, vector<512x128xbf16>
    %dot_general3A = arith.constant dense<0.000000e+00> : vector<400x128xf32>
    %dot_general3A_28 = tpu.matmul %convert_element_type3A_24, %get3A_27, %dot_general3A {dimension_numbers = #tpu.dot_dimension_numbers<[1], [0], [0], [1], [0, 0, 1, 1], [], []>, transpose_lhs_hint = false} : vector<400x512xbf16>, vector<512x128xbf16>, vector<400x128xf32> -> vector<400x128xf32>
    %convert_element_type3A_29 = arith.truncf %convert_element_type3A_23 : vector<400x512xf32> to vector<400x512xbf16>
    %get3A_30 = arith.constant 0 : index
    %get3A_31 = arith.constant 0 : index
    %get3A_32 = vector.load %arg3[%get3A_30, %get3A_31] : memref<512x128xbf16, #tpu.memory_space<vmem>>, vector<512x128xbf16>
    %dot_general3A_33 = arith.constant dense<0.000000e+00> : vector<400x128xf32>
    %dot_general3A_34 = tpu.matmul %convert_element_type3A_29, %get3A_32, %dot_general3A_33 {dimension_numbers = #tpu.dot_dimension_numbers<[1], [0], [0], [1], [0, 0, 1, 1], [], []>, transpose_lhs_hint = false} : vector<400x512xbf16>, vector<512x128xbf16>, vector<400x128xf32> -> vector<400x128xf32>
    %add3A_35 = arith.addf %dot_general3A_28, %dot_general3A_34 : vector<400x128xf32>
    %swap3A = arith.constant 0 : index
    %swap3A_36 = arith.constant 0 : index
    %swap3A_37 = vector.load %arg6[%swap3A, %swap3A_36] : memref<400x128xf32, #tpu.memory_space<vmem>>, vector<400x128xf32>
    tpu.vector_store %arg6[%swap3A, %swap3A_36], %add3A_35 {strides = array<i32>} : memref<400x128xf32, #tpu.memory_space<vmem>>, vector<400x128xf32>,
    %broadcast_in_dim3A_38 = vector.shape_cast %add3A_35 : vector<400x128xf32> to vector<400x128x1xf32>
    %broadcast_in_dim3A_39 = vector.broadcast %broadcast_in_dim3A_38 : vector<400x128x1xf32> to vector<400x128x4xf32>
    %reshape3A_40 = vector.shape_cast %broadcast_in_dim3A_39 : vector<400x128x4xf32> to vector<400x512xf32>
    %iota3A_41 = tpu.iota {dimensions = array<i32: 1>} : vector<400x512xi32>
    %jit3A_42 = arith.constant 4 : i32
    %eq3A_43 = arith.constant 0 : i32
    %eq3A_44 = arith.cmpi eq, %jit3A_42, %eq3A_43 : i32
    %jit3A_45 = arith.constant 1 : i32
    %select_n3A_46 = arith.select %eq3A_44, %jit3A_45, %jit3A_42 : i32
    %rem3A_47 = vector.broadcast %select_n3A_46 : i32 to vector<400x512xi32>
    %rem3A_48 = arith.remsi %iota3A_41, %rem3A_47 : vector<400x512xi32>
    %ne3A_49 = arith.constant 0 : i32
    %ne3A_50 = vector.broadcast %ne3A_49 : i32 to vector<400x512xi32>
    %ne3A_51 = arith.cmpi ne, %rem3A_48, %ne3A_50 : vector<400x512xi32>
    %lt3A_52 = arith.constant 0 : i32
    %lt3A_53 = vector.broadcast %lt3A_52 : i32 to vector<400x512xi32>
    %lt3A_54 = arith.cmpi slt, %rem3A_48, %lt3A_53 : vector<400x512xi32>
    %lt3A_55 = arith.constant 0 : i32
    %lt3A_56 = arith.cmpi slt, %select_n3A_46, %lt3A_55 : i32
    %ne3A_57 = vector.broadcast %lt3A_56 : i1 to vector<400x512xi1>
    %ne3A_58 = vector.broadcast %ne3A_57 : vector<400x512xi1> to vector<400x512xi1>
    %ne3A_59 = arith.xori %lt3A_54, %ne3A_58 : vector<400x512xi1>
    %and3A_60 = arith.andi %ne3A_59, %ne3A_51 : vector<400x512xi1>
    %add3A_61 = vector.broadcast %select_n3A_46 : i32 to vector<400x512xi32>
    %add3A_62 = arith.addi %rem3A_48, %add3A_61 : vector<400x512xi32>
    %select_n3A_63 = arith.select %and3A_60, %add3A_62, %rem3A_48 : vector<400x512xi1>, vector<400x512xi32>
    %add3A_64 = arith.constant 1 : i32
    %add3A_65 = vector.broadcast %add3A_64 : i32 to vector<400x512xi32>
    %add3A_66 = arith.addi %select_n3A_63, %add3A_65 : vector<400x512xi32>
    %convert_element_type3A_67 = arith.sitofp %add3A_66 : vector<400x512xi32> to vector<400x512xf32>
    %mul3A_68 = arith.mulf %reshape3A_40, %convert_element_type3A_67 : vector<400x512xf32>
    %cos3A_69 = math.cos %mul3A_68 : vector<400x512xf32>
    %convert_element_type3A_70 = arith.truncf %cos3A_69 : vector<400x512xf32> to vector<400x512xbf16>
    %convert_element_type3A_71 = arith.extf %convert_element_type3A_70 : vector<400x512xbf16> to vector<400x512xf32>
    %sin3A_72 = math.sin %mul3A_68 : vector<400x512xf32>
    %convert_element_type3A_73 = arith.truncf %sin3A_72 : vector<400x512xf32> to vector<400x512xbf16>
    %convert_element_type3A_74 = arith.extf %convert_element_type3A_73 : vector<400x512xbf16> to vector<400x512xf32>
    %convert_element_type3A_75 = arith.truncf %convert_element_type3A_71 : vector<400x512xf32> to vector<400x512xbf16>
    %get3A_76 = arith.constant 0 : index
    %get3A_77 = arith.constant 0 : index
    %get3A_78 = vector.load %arg4[%get3A_76, %get3A_77] : memref<512x128xbf16, #tpu.memory_space<vmem>>, vector<512x128xbf16>
    %dot_general3A_79 = arith.constant dense<0.000000e+00> : vector<400x128xf32>
    %dot_general3A_80 = tpu.matmul %convert_element_type3A_75, %get3A_78, %dot_general3A_79 {dimension_numbers = #tpu.dot_dimension_numbers<[1], [0], [0], [1], [0, 0, 1, 1], [], []>, transpose_lhs_hint = false} : vector<400x512xbf16>, vector<512x128xbf16>, vector<400x128xf32> -> vector<400x128xf32>
    %convert_element_type3A_81 = arith.truncf %convert_element_type3A_74 : vector<400x512xf32> to vector<400x512xbf16>
    %get3A_82 = arith.constant 0 : index
    %get3A_83 = arith.constant 0 : index
    %get3A_84 = vector.load %arg5[%get3A_82, %get3A_83] : memref<512x128xbf16, #tpu.memory_space<vmem>>, vector<512x128xbf16>
    %dot_general3A_85 = arith.constant dense<0.000000e+00> : vector<400x128xf32>
    %dot_general3A_86 = tpu.matmul %convert_element_type3A_81, %get3A_84, %dot_general3A_85 {dimension_numbers = #tpu.dot_dimension_numbers<[1], [0], [0], [1], [0, 0, 1, 1], [], []>, transpose_lhs_hint = false} : vector<400x512xbf16>, vector<512x128xbf16>, vector<400x128xf32> -> vector<400x128xf32>
    %add3A_87 = arith.addf %dot_general3A_80, %dot_general3A_86 : vector<400x128xf32>
    %swap3A_88 = arith.constant 0 : index
    %swap3A_89 = arith.constant 0 : index
    %swap3A_90 = vector.load %arg7[%swap3A_88, %swap3A_89] : memref<400x128xf32, #tpu.memory_space<vmem>>, vector<400x128xf32>
    tpu.vector_store %arg7[%swap3A_88, %swap3A_89], %add3A_87 {strides = array<i32>} : memref<400x128xf32, #tpu.memory_space<vmem>>, vector<400x128xf32>,
    return
  }
  func.func @transform_0(%arg0: i32) -> (i32, i32) {
    %c0_i32 = arith.constant 0 : i32
    %c0_i32_0 = arith.constant 0 : i32
    return %arg0, %c0_i32 : i32, i32
  }
  func.func @transform_1(%arg0: i32) -> (i32, i32) {
    %c0_i32 = arith.constant 0 : i32
    %c0_i32_0 = arith.constant 0 : i32
    %c0_i32_1 = arith.constant 0 : i32
    return %c0_i32, %c0_i32_0 : i32, i32
  }
  func.func @transform_2(%arg0: i32) -> (i32, i32) {
    %c0_i32 = arith.constant 0 : i32
    %c0_i32_0 = arith.constant 0 : i32
    %c0_i32_1 = arith.constant 0 : i32
    return %c0_i32, %c0_i32_0 : i32, i32
  }
  func.func @transform_3(%arg0: i32) -> (i32, i32) {
    %c0_i32 = arith.constant 0 : i32
    %c0_i32_0 = arith.constant 0 : i32
    %c0_i32_1 = arith.constant 0 : i32
    return %c0_i32, %c0_i32_0 : i32, i32
  }
  func.func @transform_4(%arg0: i32) -> (i32, i32) {
    %c0_i32 = arith.constant 0 : i32
    %c0_i32_0 = arith.constant 0 : i32
    %c0_i32_1 = arith.constant 0 : i32
    return %c0_i32, %c0_i32_0 : i32, i32
  }
  func.func @transform_5(%arg0: i32) -> (i32, i32) {
    %c0_i32 = arith.constant 0 : i32
    %c0_i32_0 = arith.constant 0 : i32
    return %arg0, %c0_i32 : i32, i32
  }
  func.func @transform_6(%arg0: i32) -> (i32, i32) {
    %c0_i32 = arith.constant 0 : i32
    %c0_i32_0 = arith.constant 0 : i32
    return %arg0, %c0_i32 : i32, i32
  }
}

module attributes {stable_mosaic.version = 14 : i64} {
  func.func @_tc_final_body(%arg0: i32, %arg1: memref<2x400x128xf32, #tpu.memory_space<vmem>>, %arg2: memref<400x128xf32, #tpu.memory_space<vmem>>, %arg3: memref<1x128xf32, #tpu.memory_space<vmem>>, %arg4: memref<1x128xf32, #tpu.memory_space<vmem>>, %arg5: memref<1x1xf32, #tpu.memory_space<vmem>>, %arg6: memref<1x1xf32, #tpu.memory_space<vmem>>, %arg7: memref<1x128xf32, #tpu.memory_space<vmem>>) attributes {dimension_semantics = [#tpu.dimension_semantics<arbitrary>], iteration_bounds = array<i64: 25>, scalar_prefetch = 0 : i64, scratch_operands = 1 : i64, tpu.core_type = #tpu.core_type<tc>, window_params = [{transform_indices = @transform_0, window_bounds = array<i64: 2, 400, 128>}, {transform_indices = @transform_1, window_bounds = array<i64: 400, 128>}, {pipeline_mode = #tpu.pipeline_mode<synchronous>, transform_indices = @transform_2, window_bounds = array<i64: 1, 128>}, {pipeline_mode = #tpu.pipeline_mode<synchronous>, transform_indices = @transform_3, window_bounds = array<i64: 1, 128>}, {pipeline_mode = #tpu.pipeline_mode<synchronous>, transform_indices = @transform_4, window_bounds = array<i64: 1, 1>}, {pipeline_mode = #tpu.pipeline_mode<synchronous>, transform_indices = @transform_5, window_bounds = array<i64: 1, 1>}]} {
    %eq3A = arith.constant 0 : i32
    %eq3A_0 = arith.cmpi eq, %arg0, %eq3A : i32
    %convert_element_type3A = arith.extui %eq3A_0 : i1 to i32
    %cond3A = arith.constant 0 : i32
    %cond3A_1 = arith.cmpi ne, %convert_element_type3A, %cond3A : i32
    scf.if %cond3A_1 {
      %broadcast_in_dim3A_31 = arith.constant 0.000000e+00 : f32
      %broadcast_in_dim3A_32 = vector.broadcast %broadcast_in_dim3A_31 : f32 to vector<1x128xf32>
      %swap3A_33 = arith.constant 0 : index
      %swap3A_34 = arith.constant 0 : index
      %swap3A_35 = vector.load %arg7[%swap3A_33, %swap3A_34] : memref<1x128xf32, #tpu.memory_space<vmem>>, vector<1x128xf32>
      tpu.vector_store %arg7[%swap3A_33, %swap3A_34], %broadcast_in_dim3A_32 {strides = array<i32>} : memref<1x128xf32, #tpu.memory_space<vmem>>, vector<1x128xf32>,
    } else {
    }
    %get3A = arith.constant 0 : index
    %get3A_2 = arith.constant 0 : index
    %get3A_3 = arith.constant 0 : index
    %get3A_4 = vector.load %arg1[%get3A, %get3A_2, %get3A_3] : memref<2x400x128xf32, #tpu.memory_space<vmem>>, vector<1x400x128xf32>
    %get3A_5 = vector.shape_cast %get3A_4 : vector<1x400x128xf32> to vector<400x128xf32>
    %get3A_6 = arith.constant 1 : index
    %get3A_7 = arith.constant 0 : index
    %get3A_8 = arith.constant 0 : index
    %get3A_9 = vector.load %arg1[%get3A_6, %get3A_7, %get3A_8] : memref<2x400x128xf32, #tpu.memory_space<vmem>>, vector<1x400x128xf32>
    %get3A_10 = vector.shape_cast %get3A_9 : vector<1x400x128xf32> to vector<400x128xf32>
    %add3A = arith.addf %get3A_5, %get3A_10 : vector<400x128xf32>
    %get3A_11 = arith.constant 0 : index
    %get3A_12 = arith.constant 0 : index
    %get3A_13 = vector.load %arg2[%get3A_11, %get3A_12] : memref<400x128xf32, #tpu.memory_space<vmem>>, vector<400x128xf32>
    %add3A_14 = arith.addf %add3A, %get3A_13 : vector<400x128xf32>
    %ge3A = arith.constant 0.000000e+00 : f32
    %ge3A_15 = vector.broadcast %ge3A : f32 to vector<400x128xf32>
    %ge3A_16 = arith.cmpf oge, %add3A_14, %ge3A_15 : vector<400x128xf32>
    %mul3A = arith.constant 0.00999999977 : f32
    %mul3A_17 = vector.broadcast %mul3A : f32 to vector<400x128xf32>
    %mul3A_18 = arith.mulf %mul3A_17, %add3A_14 : vector<400x128xf32>
    %select_n3A = arith.select %ge3A_16, %add3A_14, %mul3A_18 : vector<400x128xi1>, vector<400x128xf32>
    %get3A_19 = arith.constant 0 : index
    %get3A_20 = arith.constant 0 : index
    %get3A_21 = vector.load %arg7[%get3A_19, %get3A_20] : memref<1x128xf32, #tpu.memory_space<vmem>>, vector<1x128xf32>
    %reduce_sum3A = arith.constant dense<0.000000e+00> : vector<128xf32>
    %reduce_sum3A_22 = vector.multi_reduction <add>, %select_n3A, %reduce_sum3A [0] : vector<400x128xf32> to vector<128xf32>
    %broadcast_in_dim3A = vector.shape_cast %reduce_sum3A_22 : vector<128xf32> to vector<1x128xf32>
    %add3A_23 = arith.addf %get3A_21, %broadcast_in_dim3A : vector<1x128xf32>
    %swap3A = arith.constant 0 : index
    %swap3A_24 = arith.constant 0 : index
    %swap3A_25 = vector.load %arg7[%swap3A, %swap3A_24] : memref<1x128xf32, #tpu.memory_space<vmem>>, vector<1x128xf32>
    tpu.vector_store %arg7[%swap3A, %swap3A_24], %add3A_23 {strides = array<i32>} : memref<1x128xf32, #tpu.memory_space<vmem>>, vector<1x128xf32>,
    %eq3A_26 = arith.constant 24 : i32
    %eq3A_27 = arith.cmpi eq, %arg0, %eq3A_26 : i32
    %convert_element_type3A_28 = arith.extui %eq3A_27 : i1 to i32
    %cond3A_29 = arith.constant 0 : i32
    %cond3A_30 = arith.cmpi ne, %convert_element_type3A_28, %cond3A_29 : i32
    scf.if %cond3A_30 {
      %get3A_31 = arith.constant 0 : index
      %get3A_32 = arith.constant 0 : index
      %get3A_33 = vector.load %arg7[%get3A_31, %get3A_32] : memref<1x128xf32, #tpu.memory_space<vmem>>, vector<1x128xf32>
      %cos3A = math.cos %get3A_33 : vector<1x128xf32>
      %convert_element_type3A_34 = arith.truncf %cos3A : vector<1x128xf32> to vector<1x128xbf16>
      %convert_element_type3A_35 = arith.extf %convert_element_type3A_34 : vector<1x128xbf16> to vector<1x128xf32>
      %sin3A = math.sin %get3A_33 : vector<1x128xf32>
      %convert_element_type3A_36 = arith.truncf %sin3A : vector<1x128xf32> to vector<1x128xbf16>
      %convert_element_type3A_37 = arith.extf %convert_element_type3A_36 : vector<1x128xbf16> to vector<1x128xf32>
      %get3A_38 = arith.constant 0 : index
      %get3A_39 = arith.constant 0 : index
      %get3A_40 = vector.load %arg3[%get3A_38, %get3A_39] : memref<1x128xf32, #tpu.memory_space<vmem>>, vector<1x128xf32>
      %convert_element_type3A_41 = arith.truncf %get3A_40 : vector<1x128xf32> to vector<1x128xbf16>
      %convert_element_type3A_42 = arith.extf %convert_element_type3A_41 : vector<1x128xbf16> to vector<1x128xf32>
      %get3A_43 = arith.constant 0 : index
      %get3A_44 = arith.constant 0 : index
      %get3A_45 = vector.load %arg4[%get3A_43, %get3A_44] : memref<1x128xf32, #tpu.memory_space<vmem>>, vector<1x128xf32>
      %convert_element_type3A_46 = arith.truncf %get3A_45 : vector<1x128xf32> to vector<1x128xbf16>
      %convert_element_type3A_47 = arith.extf %convert_element_type3A_46 : vector<1x128xbf16> to vector<1x128xf32>
      %mul3A_48 = arith.mulf %convert_element_type3A_35, %convert_element_type3A_42 : vector<1x128xf32>
      %reduce_sum3A_49 = arith.constant dense<0.000000e+00> : vector<1xf32>
      %reduce_sum3A_50 = vector.multi_reduction <add>, %mul3A_48, %reduce_sum3A_49 [1] : vector<1x128xf32> to vector<1xf32>
      %broadcast_in_dim3A_51 = vector.shape_cast %reduce_sum3A_50 : vector<1xf32> to vector<1x1xf32>
      %mul3A_52 = arith.mulf %convert_element_type3A_37, %convert_element_type3A_47 : vector<1x128xf32>
      %reduce_sum3A_53 = arith.constant dense<0.000000e+00> : vector<1xf32>
      %reduce_sum3A_54 = vector.multi_reduction <add>, %mul3A_52, %reduce_sum3A_53 [1] : vector<1x128xf32> to vector<1xf32>
      %broadcast_in_dim3A_55 = vector.shape_cast %reduce_sum3A_54 : vector<1xf32> to vector<1x1xf32>
      %add3A_56 = arith.addf %broadcast_in_dim3A_51, %broadcast_in_dim3A_55 : vector<1x1xf32>
      %get3A_57 = arith.constant 0 : index
      %get3A_58 = arith.constant 0 : index
      %get3A_59 = vector.load %arg5[%get3A_57, %get3A_58] : memref<1x1xf32, #tpu.memory_space<vmem>>, vector<1x1xf32>
      %add3A_60 = arith.addf %add3A_56, %get3A_59 : vector<1x1xf32>
      %logistic3A = arith.negf %add3A_60 : vector<1x1xf32>
      %logistic3A_61 = math.exp %logistic3A : vector<1x1xf32>
      %logistic3A_62 = arith.constant 1.000000e+00 : f32
      %logistic3A_63 = vector.broadcast %logistic3A_62 : f32 to vector<1x1xf32>
      %logistic3A_64 = arith.addf %logistic3A_63, %logistic3A_61 : vector<1x1xf32>
      %logistic3A_65 = arith.divf %logistic3A_63, %logistic3A_64 : vector<1x1xf32>
      %swap3A_66 = arith.constant 0 : index
      %swap3A_67 = arith.constant 0 : index
      %swap3A_68 = vector.load %arg6[%swap3A_66, %swap3A_67] : memref<1x1xf32, #tpu.memory_space<vmem>>, vector<1x1xf32>
      tpu.vector_store %arg6[%swap3A_66, %swap3A_67], %logistic3A_65 {strides = array<i32>} : memref<1x1xf32, #tpu.memory_space<vmem>>, vector<1x1xf32>,
    } else {
    }
    return
  }
  func.func @transform_0(%arg0: i32) -> (i32, i32, i32) {
    %c0_i32 = arith.constant 0 : i32
    %c0_i32_0 = arith.constant 0 : i32
    %c0_i32_1 = arith.constant 0 : i32
    return %c0_i32, %arg0, %c0_i32_0 : i32, i32, i32
  }
  func.func @transform_1(%arg0: i32) -> (i32, i32) {
    %c0_i32 = arith.constant 0 : i32
    %c0_i32_0 = arith.constant 0 : i32
    return %arg0, %c0_i32 : i32, i32
  }
  func.func @transform_2(%arg0: i32) -> (i32, i32) {
    %c0_i32 = arith.constant 0 : i32
    %c0_i32_0 = arith.constant 0 : i32
    %c0_i32_1 = arith.constant 0 : i32
    return %c0_i32, %c0_i32_0 : i32, i32
  }
  func.func @transform_3(%arg0: i32) -> (i32, i32) {
    %c0_i32 = arith.constant 0 : i32
    %c0_i32_0 = arith.constant 0 : i32
    %c0_i32_1 = arith.constant 0 : i32
    return %c0_i32, %c0_i32_0 : i32, i32
  }
  func.func @transform_4(%arg0: i32) -> (i32, i32) {
    %c0_i32 = arith.constant 0 : i32
    %c0_i32_0 = arith.constant 0 : i32
    %c0_i32_1 = arith.constant 0 : i32
    return %c0_i32, %c0_i32_0 : i32, i32
  }
  func.func @transform_5(%arg0: i32) -> (i32, i32) {
    %c0_i32 = arith.constant 0 : i32
    %c0_i32_0 = arith.constant 0 : i32
    %c0_i32_1 = arith.constant 0 : i32
    return %c0_i32, %c0_i32_0 : i32, i32
  }
}

</mosaic_0001>

<sc_bundles>
// kernel: kernel.5.cloned.1.call-start
scs
__scs_entry_jumppad:
0x0: {  	(pc) =	sbr.rel $0x88, $3  }
0x1: {  	(tag) =	ssettag $0x0;
	lr =	simm.s32 $0x1  }
0x2: {  	[smem:$0x3F9B] =	sst lr;
	_ =	strace $0xD0000000  }
0x3: {  	_ = 	snop  }
0x4: {  	_ = 	snop  }
0x5: {  	_ = 	snop  }
0x6: {  	_ = 	snop  }
0x7: {  	_ = 	snop  }
__scs_overlays_trampoline_lowered:
0x8: {  	[smem:$0x3FAA] =	sst s0  }
0x9: {  	[smem:$0x3FAB] =	sst s1  }
0xa: {  	[smem:$0x3FAC] =	sst s2  }
0xb: {  	[smem:$0x3FAD] =	sst s3  }
0xc: {  	[smem:$0x3FAE] =	sst s4  }
0xd: {  	[smem:$0x3FAF] =	sst s5  }
0xe: {  	[smem:$0x3FB0] =	sst s6  }
0xf: {  	[smem:$0x3FB1] =	sst s7  }
0x10: {  	[smem:$0x3FB2] =	sst s8  }
0x11: {  	[smem:$0x3FB3] =	sst s9;
	s0 =	simm.s32 @!p0 $0x0  }
0x12: {  	s1 =	sld [smem:$0x3F99];
	s0 =	simm.s32 @p0 $0x1  }
0x13: {  	[smem:$0x3FB4] =	sst s0;
	s0 =	simm.s32 @!p1 $0x0  }
0x14: {  	s2 =	sld [smem:$0x3F98];
	s0 =	simm.s32 @p1 $0x1  }
0x15: {  	[smem:$0x3FB5] =	sst s0;
	s0 =	simm.s32 @!p2 $0x0  }
0x16: {  	s3 =	sld [smem:$0x3FDB];
	s0 =	simm.s32 @p2 $0x1  }
0x17: {  	s4 =	simm.s32 $0x1BF5;
	[smem:$0x3FB7] =	sst s0  }
0x18: {  	s0 =	sld [smem:$0x3F9A];
	_ =	swait.ge [sflag:s4], $0x0  }
0x19: {  	s7 =	sld [smem:$0x3F9B]  }
0x1a: {  	s8 =	sadd.s32 $0xFFFFE003, lr  }
0x1b: {  	s9 =	sadd.s32 $0xFFFFFEF7, lr;
	s5 =	simm.s32 $0xFFFFFFFF;
	p2 =	slt.u32 s8, $0xFFFFF086  }
0x1c: {  	p1 =	slt.u32 s9, $0xF7A;
	s5 =	simm.s32 @!p2 $0x0  }
0x1d: {  	s5 =	simm.s32 @p1 $0x1;
	p0 =	seq.s32 s7, s2  }
0x1e: {  	s7 =	smul.u32 @!p0 $0xF7A, s2;
	p2 =	seq.s32 @!p0 s5, $0x0  }
0x1f: {  	s9 =	smul.u32 $0xF7A, s1;
	s8 =	simm.s32 @!p0 $0x1BF5;
	p2 =	por !p2, p0  }
0x20: {  	[sflag:s8] =	ssyncset.s32 @!p0 $0xFFFFF086;
	s6 =	sadd.s32 @!p0 s3, s7;
	s7 =	simm.s32 @!p0 $0x108  }
0x21: {  	s3 =	sadd.s32 s3, s9;
	s6 =	sadd.s32 @!p0 $0x88, s6;
	s7 =	simm.s32 @p2 $0x1082  }
0x22: {  	[simem:s7], [sflag:s8] =	dma.local @!p0 [hbm:s6], $0xF7A  }
0x23: {  	s9 =	sor.u32 $0xD0000000, s2;
	s6 =	simm.s32 $0x108;
	_ =	swait.ge @!p0 [sflag:s8], $0x0  }
0x24: {  	s3 =	sadd.s32 $0x88, s3;
	s6 =	simm.s32 @!p1 $0x1082;
	[sflag:s4] =	ssyncset.s32 $0xFFFFF086  }
0x25: {  	[simem:s6], [sflag:s4] =	dma.local [hbm:s3], $0xF7A  }
0x26: {  	[smem:$0x3F9B] =	sst s1;
	(tag) =	ssettag s2;
	_ =	strace s9  }
0x27: {  	s1 =	sld [smem:$0x3FAB]  }
0x28: {  	s2 =	sld [smem:$0x3FAC]  }
0x29: {  	s4 =	sld [smem:$0x3FAE]  }
0x2a: {  	p0 =	seq.s32 s5, $0x0;
	s5 =	sld [smem:$0x3FAF]  }
0x2b: {  	s6 =	sld [smem:$0x3FB0]  }
0x2c: {  	s7 =	sld [smem:$0x3FB1]  }
0x2d: {  	s3 =	simm.s32 $0x108;
	s8 =	sld [smem:$0x3FB2]  }
0x2e: {  	s3 =	simm.s32 @!p0 $0x1082;
	s9 =	sld [smem:$0x3FB3]  }
0x2f: {  	lr =	sadd.s32 s0, s3;
	s0 =	sld [smem:$0x3FAA]  }
0x30: {  	s3 =	sld [smem:$0x3FAD]  }
0x31: {  	[smem:$0x3FB6] =	sst s10  }
0x32: {  	s10 =	sld [smem:$0x3FB4];
	_ =	sdelay $0x3  }
0x33: {  	p0 =	seq.s32 s10, $0x1;
	s10 =	sld [smem:$0x3FB6];
	_ =	sdelay $0x3  }
0x34: {  	[smem:$0x3FB6] =	sst s10  }
0x35: {  	s10 =	sld [smem:$0x3FB5];
	_ =	sdelay $0x3  }
0x36: {  	p1 =	seq.s32 s10, $0x1;
	s10 =	sld [smem:$0x3FB6];
	_ =	sdelay $0x3  }
0x37: {  	[smem:$0x3FB6] =	sst s10  }
0x38: {  	s10 =	sld [smem:$0x3FB7]  }
0x39: {  	_ = 	snop;
	(pc) =	sbr.ind lr, $3  }
0x3a: {  	_ = 	snop  }
0x3b: {  	_ = 	snop  }
0x3c: {  	p2 =	seq.s32 s10, $0x1;
	s10 =	sld [smem:$0x3FB6]  }
0x3d: {  	_ =	shalt  }
0x3e: {  	_ =	shalt  }
0x3f: {  	_ =	shalt  }
0x40: {  	_ =	shalt  }
0x41: {  	_ =	shalt  }
0x42: {  	_ =	shalt  }
0x43: {  	_ =	shalt  }
0x44: {  	_ =	shalt  }
0x45: {  	_ =	shalt  }
0x46: {  	_ =	shalt  }
0x47: {  	_ =	shalt  }
0x48: {  	_ =	shalt  }
0x49: {  	_ =	shalt  }
0x4a: {  	_ =	shalt  }
0x4b: {  	_ =	shalt  }
0x4c: {  	_ =	shalt  }
0x4d: {  	_ =	shalt  }
0x4e: {  	_ =	shalt  }
0x4f: {  	_ =	shalt  }
0x50: {  	_ =	shalt  }
0x51: {  	_ =	shalt  }
0x52: {  	_ =	shalt  }
0x53: {  	_ =	shalt  }
0x54: {  	_ =	shalt  }
0x55: {  	_ =	shalt  }
0x56: {  	_ =	shalt  }
0x57: {  	_ =	shalt  }
0x58: {  	_ =	shalt  }
0x59: {  	_ =	shalt  }
0x5a: {  	_ =	shalt  }
0x5b: {  	_ =	shalt  }
0x5c: {  	_ =	shalt  }
0x5d: {  	_ =	shalt  }
0x5e: {  	_ =	shalt  }
0x5f: {  	_ =	shalt  }
0x60: {  	_ =	shalt  }
0x61: {  	_ =	shalt  }
0x62: {  	_ =	shalt  }
0x63: {  	_ =	shalt  }
0x64: {  	_ =	shalt  }
0x65: {  	_ =	shalt  }
0x66: {  	_ =	shalt  }
0x67: {  	_ =	shalt  }
0x68: {  	_ =	shalt  }
0x69: {  	_ =	shalt  }
0x6a: {  	_ =	shalt  }
0x6b: {  	_ =	shalt  }
0x6c: {  	_ =	shalt  }
0x6d: {  	_ =	shalt  }
0x6e: {  	_ =	shalt  }
0x6f: {  	_ =	shalt  }
0x70: {  	_ =	shalt  }
0x71: {  	_ =	shalt  }
0x72: {  	_ =	shalt  }
0x73: {  	_ =	shalt  }
0x74: {  	_ =	shalt  }
0x75: {  	_ =	shalt  }
0x76: {  	_ =	shalt  }
0x77: {  	_ =	shalt  }
0x78: {  	_ =	shalt  }
0x79: {  	_ =	shalt  }
0x7a: {  	_ =	shalt  }
0x7b: {  	_ =	shalt  }
0x7c: {  	_ =	shalt  }
0x7d: {  	_ =	shalt  }
0x7e: {  	_ =	shalt  }
0x7f: {  	_ =	shalt  }
0x80: {  	_ =	shalt  }
0x81: {  	_ =	shalt  }
0x82: {  	_ =	shalt  }
0x83: {  	_ =	shalt  }
0x84: {  	_ =	shalt  }
0x85: {  	_ =	shalt  }
0x86: {  	_ =	shalt  }
0x87: {  	_ =	shalt  }
.Lfunc_end0:
.L_simem_size_0:
called_computation_lowered:
.L_overlay_start_0:
0x88: {  	s2 =	sld [smem:$0x3FD9]  }
0x89: {  	s3 =	sld [smem:$0x3FFE];
	_ =	sdelay $0x1  }
0x8a: {  	s1 =	srdreg.scid  }
0x8b: {  	s0 =	sand.u32 $0x1, s1  }
0x8c: {  	s16 =	sshll.u32 s0, $0xA;
	s2 =	sadd.s32 s3, s2  }
0x8d: {  	s2 =	sadd.s32 s2, s16  }
0x8e: {  	[smem:$0x3FC2] =	sst s2  }
0x8f: {  	_ = 	snop  }
0x90: {  	(tm) =	ssettm $0x1  }
0x91: {  	s17 =	sld [smem:$0x3FFB];
	_ =	sdelay $0x3  }
0x92: {  	_ =	strace s17  }
0x93: {  	s2 =	sld [smem:$0x3FFC];
	_ =	sdelay $0x3  }
0x94: {  	_ =	strace s2  }
0x95: {  	s2 =	sld [smem:$0x3FFD];
	_ =	sdelay $0x3  }
0x96: {  	_ =	strace s2  }
0x97: {  	_ =	strace $0x8FFFFFFF  }
0x98: {  	s18 =	sld [smem:$0x3FDB];
	_ =	sdelay $0x1  }
0x99: {  	s19 =	simm.s32 $_scs_section_size  }
0x9a: {  	s4 =	simm.s32 $_size__tile_overlayer_lowered;
	s5 =	simm.s32 $_tile_overlayer_lowered  }
0x9b: {  	s22 =	simm.s32 $0x1BFF;
	s21 =	sshll.u32 s5, $0x1;
	s2 =	sadd.s32 s19, s18  }
0x9c: {  	s6 =	simm.s32 $0x0;
	s20 =	sshll.u32 s4, $0x1;
	s4 =	sadd.s32 s21, s2  }
0x9d: {  	[timem:s6], [sflag:s22] =	dma.local [hbm:s4], s20  }
0x9e: {  	_ =	swait.ge [sflag:s22], s20  }
0x9f: {  	s3 =	ssub.s32 $0x0, s20;
	[sflag:s22] =	ssyncset.done $0x0  }
0xa0: {  	[sflag:s22] =	ssyncadd.s32 s3;
	_ =	sdelay $0x1  }
0xa1: {  	s23 =	simm.s32 $0x1B8B  }
0xa2: {  	_ =	swait.ge [sflag:s23], $0x1  }
0xa3: {  	[sflag:s23] =	ssyncset.done $0x0  }
0xa4: {  	s25 =	simm.s32 $0x1B8E;
	s24 =	sld [smem:$0x3FFE];
	[sflag:s23] =	ssyncadd.s32 $0xFFFFFFFF  }
0xa5: {  	s26 =	simm.s32 $execute0_lowered;
	[smem:$0x3FD2] =	sst s25  }
0xa6: {  	s4 =	sshll.u32 s26, $0x1;
	_ =	strace $0x80000046;
	[dreg:$0x1] =	wrdreg $0xFFFFFFFF  }
0xa7: {  	s28 =	simm.s32 $_size_execute0_lowered;
	s2 =	sadd.s32 s2, s4;
	[dreg:$0x0] =	wrdreg $0x0  }
0xa8: {  	s4 =	sshll.u32 s28, $0x1;
	[dreg:$0x2] =	wrdreg s2  }
0xa9: {  	[dreg:$0x3] =	wrdreg s4  }
0xaa: {  	[dreg:$0x4] =	wrdreg $0xC0  }
0xab: {  	_ =	task [dreg:s6], $0x5FFFF  }
0xac: {  	[dreg:$0x1] =	wrdreg $0xFFFFFFFF  }
0xad: {  	[dreg:$0x0] =	wrdreg $0x60  }
0xae: {  	[dreg:$0x2] =	wrdreg s24  }
0xaf: {  	[dreg:$0x3] =	wrdreg $0x46000  }
0xb0: {  	[dreg:$0x4] =	wrdreg $0x9  }
0xb1: {  	_ =	task.clear_ibuf [dreg:s6], $0x5FFFF;
	_ =	strace $0x90000046  }
0xb2: {  	s29 =	simm.s32 $0x9;
	_ =	strace $0x80000048  }
0xb3: {  	_ =	swait.ge [sflag:s29], $0x1  }
0xb4: {  	[sflag:s29] =	ssyncadd.s32 $0xFFFFFFFF  }
0xb5: {  	_ =	strace $0x90000048  }
0xb6: {  	_ =	sfence  }
0xb7: {  	s30 =	sld [smem:$0x0];
	_ =	sdelay $0x2  }
0xb8: {  	s31 =	sshll.u32 s1, $0xD;
	s1 =	sshrl.u32 s1, $0x2  }
0xb9: {  	s3 =	sand.u32 $0x4000, s31;
	s1 =	sadd.s32 s1, s30  }
0xba: {  	s0 =	sor.u32 s3, s0;
	s1 =	sshll.u32 s1, $0x11  }
0xbb: {  	s0 =	sor.u32 s1, s0  }
0xbc: {  	s0 =	sadd.s32 $0x8F2B, s0  }
0xbd: {  	[sflag:s0] =	ssyncadd.remote.s32 $0x1  }
0xbe: {  	_ =	sfence.sel $0xFFFF  }
0xbf: {  	[dreg:$0x0] =	wrdreg $0xFFFFFFFF;
	(pc) =	sbr.abs _section_cstart, $3  }
0xc0: {  	[dreg:$0x1] =	wrdreg $0xFFFFFFFF  }
0xc1: {  	_ =	task.clear_ibuf [dreg:s6], $0x2FFFF;
	_ =	strace $0x9FFFFFFF  }
0xc2: {  	(tm) =	ssettm $0x7FFFFFFF  }
0xc3: {  	_ =	shalt  }
tec
execute0_lowered:
.L_overlay_start_1:
0x0: {  	(tag) =	ssettag $0x1  }
0x1: {  	s5 =	rddreg [dreg:$0x0]  }
0x2: {  	s1 =	rddreg [dreg:$0x1];
	s2 =	simm.s32 $0x0  }
0x3: {  	s3 =	srdreg.scid;
	s19 =	simm.s32 $0x80;
	s20 =	simm.s32 $0x1  }
0x4: {  	s21 =	simm.s32 $0x4100;
	s22 =	simm.s32 $0x4180;
	s23 =	simm.s32 $0x8  }
0x5: {  	s24 =	simm.s32 $0x4200;
	[smem:$0x7FF] =	sst s2;
	s7 =	sand.u32 $0x1, s3  }
0x6: {  	s26 =	simm.s32 $0x0;
	s3 =	stileid.u32;
	s6 =	smul.u32 $0x27100, s7  }
0x7: {  	s4 =	sadd.s32 $0xAC00, s5;
	s16 =	sadd.s32 $0x5C00, s5;
	s8 =	smul.u32 $0x4E000, s3  }
0x8: {  	s15 =	sadd.s32 $0xC00, s5;
	_ =	strace $0x80000047;
	s12 =	smul.u32 $0x13880, s7  }
0x9: {  	s28 =	sshll.u32 s7, $0x4;
	s29 =	ssub.s32 $0x2, s7;
	s17 =	smul.u32 $0x1388, s3  }
0xa: {  	s25 =	smul.u32 $0x2700, s3;
	p0 =	sne.s32 s3, $0xF;
	s9 =	sor.u32 s3, s28  }
0xb: {  	s10 =	sshrl.u32 s29, $0x1;
	s13 =	sadd.s32 s6, s5;
	s8 =	sshrl.u32 s8, $0x2  }
0xc: {  	s30 =	smul.u32 $0x1388, s9;
	s14 =	ssub.s32 s29, s10;
	s10 =	sadd.s32 $0x138000, s1  }
0xd: {  	s17 =	sadd.s32 s17, s12;
	s5 =	sadd.s32 s8, s1;
	s13 =	sadd.s32 $0x31E00, s13  }
0xe: {  	s17 =	sshrl.u32 s17, $0x3;
	s14 =	smax.u32 s14, $0x1;
	s6 =	sadd.s32 $0x4000, s5  }
0xf: {  	s7 =	sadd.s32 $0x8000, s5;
	s31 =	sshrl.u32 s30, $0x3;
	s8 =	sadd.s32 $0xC000, s5  }
0x10: {  	s9 =	sadd.s32 $0x10000, s5;
	s25 =	sadd.s32 s25, s13;
	s18 =	sadd.s32 $0x270, s31  }
0x11: {  	s11 =	sadd.s32 s16, s18;
	s12 =	sadd.s32 s15, s18;
	s15 =	sadd.s32 s17, s15  }
0x12: {  	v0 =	vimm.f32 $0.0e+00;
	s16 =	sadd.s32 s17, s16;
	s17 =	simm.s32 $0x100;
	s18 =	simm.s32 $0x2  }
.LBB2_1:
0x13: {  	s28 =	simm.s32 $0x0;
	s29 =	simm.s32 $0x200  }
.LBB2_2:
0x14: {  	p1 =	sne.s32 s29, $0xFE00;
	[tilespmem:s28+$0x170] =	vst v0  }
0x15: {  	[tilespmem:s28+$0x100] =	vst v0  }
0x16: {  	[tilespmem:s28+$0x110] =	vst v0  }
.Ltmp0:
0x17: {  	[tilespmem:s28+$0x120] =	vst v0;
	(pc) =	sbr.rel @p1 .LBB2_2-.Ltmp0, $4  }
0x18: {  	[tilespmem:s28+$0x130] =	vst v0  }
0x19: {  	[tilespmem:s28+$0x140] =	vst v0  }
0x1a: {  	[tilespmem:s28+$0x150] =	vst v0  }
0x1b: {  	[tilespmem:s28+$0x160] =	vst v0;
	s28 =	sshra.s32 s29, $0x2;
	s29 =	sadd.s32 $0x200, s29  }
0x1c: {  	[tilespmem:s28+$0x170] =	vst v0  }
0x1d: {  	[tilespmem:s28+$0x100] =	vst v0  }
0x1e: {  	[tilespmem:s28+$0x110] =	vst v0  }
0x1f: {  	[tilespmem:s28+$0x120] =	vst v0  }
0x20: {  	[tilespmem:s28+$0x130] =	vst v0  }
0x21: {  	[tilespmem:s28+$0x140] =	vst v0  }
0x22: {  	[tilespmem:s28+$0x150] =	vst v0  }
0x23: {  	[tilespmem:s28+$0x160] =	vst v0  }
0x24: {  	[spmem:s5] =	stream.linear.scatter [tilespmem:s17], [sflag:$0x2], $0x4000, $0x38;
	[tilespmem:$0x17E80] =	vst v63  }
0x25: {  	_ =	swait.ge [sflag:s18], $0x4000  }
0x26: {  	[sflag:s18] =	ssyncset.done $0x0  }
0x27: {  	[sflag:s18] =	ssyncadd.s32 $0xFFFFC000  }
0x28: {  	[spmem:s6] =	stream.linear.scatter [tilespmem:s17], [sflag:$0x2], $0x4000, $0x38;
	[tilespmem:$0x17E80] =	vst v63  }
0x29: {  	_ =	swait.ge [sflag:s18], $0x4000  }
0x2a: {  	[sflag:s18] =	ssyncset.done $0x0  }
0x2b: {  	[sflag:s18] =	ssyncadd.s32 $0xFFFFC000  }
0x2c: {  	[spmem:s7] =	stream.linear.scatter [tilespmem:s17], [sflag:$0x2], $0x4000, $0x38;
	[tilespmem:$0x17E80] =	vst v63  }
0x2d: {  	_ =	swait.ge [sflag:s18], $0x4000  }
0x2e: {  	[sflag:s18] =	ssyncset.done $0x0  }
0x2f: {  	[sflag:s18] =	ssyncadd.s32 $0xFFFFC000  }
0x30: {  	[spmem:s8] =	stream.linear.scatter [tilespmem:s17], [sflag:$0x2], $0x4000, $0x38;
	[tilespmem:$0x17E80] =	vst v63  }
0x31: {  	_ =	swait.ge [sflag:s18], $0x4000  }
0x32: {  	[sflag:s18] =	ssyncset.done $0x0  }
0x33: {  	[sflag:s18] =	ssyncadd.s32 $0xFFFFC000  }
0x34: {  	[spmem:s9] =	stream.linear.scatter [tilespmem:s17], [sflag:$0x2], $0x3800, $0x38;
	[tilespmem:$0x17E80] =	vst v63  }
0x35: {  	_ =	swait.ge [sflag:s18], $0x3800  }
0x36: {  	[sflag:s18] =	ssyncset.done $0x0  }
0x37: {  	s28 =	simm.s32 @!p0 $0x100;
	[sflag:s18] =	ssyncadd.s32 $0xFFFFC800  }
0x38: {  	[spmem:s10] =	stream.linear.scatter @!p0 [tilespmem:s28], [sflag:$0x2], $0x800, $0x38;
	[tilespmem:$0x17E80] =	vst v63  }
0x39: {  	s28 =	simm.s32 @!p0 $0x2  }
0x3a: {  	_ =	swait.ge @!p0 [sflag:s28], $0x800  }
0x3b: {  	[sflag:s28] =	ssyncset.done @!p0 $0x0  }
0x3c: {  	[sflag:s28] =	ssyncadd.s32 @!p0 $0xFFFFF800  }
0x3d: {  	s28 =	sadd.s32 $0x0, s16;
	[bflag:$0x0] =	sbarrier.arrive $0xFFFF  }
0x3e: {  	[tilespmem:s2], [sflag:$0x2] =	stream.linear.gather [hbm4b:s28+s2], $0x80, $0x38;
	[tilespmem:$0x17E80] =	vst v63  }
0x3f: {  	_ =	swait.ge [sflag:s18], $0x80  }
0x40: {  	[sflag:s18] =	ssyncset.done $0x0  }
0x41: {  	s28 =	sadd.s32 $0x0, s15;
	[sflag:s18] =	ssyncadd.s32 $0xFFFFFF80  }
0x42: {  	[tilespmem:s19], [sflag:$0x2] =	stream.linear.gather [hbm4b:s28+s2], $0x80, $0x38;
	[tilespmem:$0x17E80] =	vst v63  }
0x43: {  	_ =	swait.ge [sflag:s18], $0x80  }
0x44: {  	[sflag:s18] =	ssyncset.done $0x0  }
0x45: {  	[sflag:s18] =	ssyncadd.s32 $0xFFFFFF80  }
0x46: {  	[tilespmem:s17], [sflag:$0x1] =	stream.indirect.gather [hbm4b:s4+s19], $0x80, s2, s19, $0xb8;
	[tilespmem:$0x17E80] =	vst v63  }
0x47: {  	_ =	swait.ge [sflag:s20], $0x4000  }
0x48: {  	[sflag:s20] =	ssyncset.done $0x0  }
0x49: {  	[sflag:s20] =	ssyncadd.s32 $0xFFFFC000  }
0x4a: {  	[spmem:s1] =	stream.indirect.scatter.add.f32 [tilespmem:s17], [sflag:$0x2], $0x80, s19, s19, $0xb8;
	[tilespmem:$0x17E80] =	vst v63  }
0x4b: {  	_ =	swait.ge [sflag:s18], $0x4000  }
0x4c: {  	s29 =	simm.s32 $0x20;
	s28 =	simm.s32 $0x10;
	[sflag:s18] =	ssyncset.done $0x0  }
.LBB2_4:
0x4d: {  	s30 =	sadd.s32 s28, s16  }
0x4e: {  	[sflag:s18] =	ssyncadd.s32 $0xFFFFC000;
	s31 =	smov.u32 s29;
	s0 =	sadd.s32 $0x10, s29  }
0x4f: {  	[tilespmem:s2], [sflag:$0x2] =	stream.linear.gather [hbm4b:s30+s2], $0x80, $0x38;
	[tilespmem:$0x17E80] =	vst v63  }
0x50: {  	p1 =	sne.s32 s29, $0x260;
	_ =	swait.ge [sflag:s18], $0x80  }
0x51: {  	[sflag:s18] =	ssyncset.done $0x0  }
0x52: {  	s29 =	sadd.s32 s28, s15;
	s28 =	smov.u32 s31;
	[sflag:s18] =	ssyncadd.s32 $0xFFFFFF80  }
0x53: {  	[tilespmem:s19], [sflag:$0x2] =	stream.linear.gather [hbm4b:s29+s2], $0x80, $0x38;
	[tilespmem:$0x17E80] =	vst v63  }
0x54: {  	_ =	swait.ge [sflag:s18], $0x80  }
0x55: {  	[sflag:s18] =	ssyncset.done $0x0  }
0x56: {  	[sflag:s18] =	ssyncadd.s32 $0xFFFFFF80  }
0x57: {  	[tilespmem:s17], [sflag:$0x1] =	stream.indirect.gather [hbm4b:s4+s19], $0x80, s2, s19, $0xb8;
	[tilespmem:$0x17E80] =	vst v63  }
0x58: {  	_ =	swait.ge [sflag:s20], $0x4000  }
.Ltmp1:
0x59: {  	[sflag:s20] =	ssyncset.done $0x0;
	(pc) =	sbr.rel @p1 .LBB2_4-.Ltmp1, $4  }
0x5a: {  	[sflag:s20] =	ssyncadd.s32 $0xFFFFC000  }
0x5b: {  	[spmem:s1] =	stream.indirect.scatter.add.f32 [tilespmem:s17], [sflag:$0x2], $0x80, s19, s19, $0xb8;
	[tilespmem:$0x17E80] =	vst v63  }
0x5c: {  	_ =	swait.ge [sflag:s18], $0x4000  }
0x5d: {  	s29 =	smov.u32 s0;
	[sflag:s18] =	ssyncset.done $0x0  }
0x5e: {  	s0 =	sadd.s32 s28, s16;
	[sflag:s18] =	ssyncadd.s32 $0xFFFFC000  }
0x5f: {  	[tilespmem:s2], [sflag:$0x2] =	stream.linear.gather [hbm4b:s0+s2], $0x80, $0x38;
	[tilespmem:$0x17E80] =	vst v63  }
0x60: {  	_ =	swait.ge [sflag:s18], $0x80  }
0x61: {  	[sflag:s18] =	ssyncset.done $0x0  }
0x62: {  	s29 =	sadd.s32 s28, s15;
	[sflag:s18] =	ssyncadd.s32 $0xFFFFFF80  }
0x63: {  	[tilespmem:s19], [sflag:$0x2] =	stream.linear.gather [hbm4b:s29+s2], $0x80, $0x38;
	[tilespmem:$0x17E80] =	vst v63  }
0x64: {  	_ =	swait.ge [sflag:s18], $0x80  }
0x65: {  	[sflag:s18] =	ssyncset.done $0x0  }
0x66: {  	[sflag:s18] =	ssyncadd.s32 $0xFFFFFF80  }
0x67: {  	[tilespmem:s17], [sflag:$0x1] =	stream.indirect.gather [hbm4b:s4+s19], $0x80, s2, s19, $0xb8;
	[tilespmem:$0x17E80] =	vst v63  }
0x68: {  	_ =	swait.ge [sflag:s20], $0x4000  }
0x69: {  	[sflag:s20] =	ssyncset.done $0x0  }
0x6a: {  	[sflag:s20] =	ssyncadd.s32 $0xFFFFC000  }
0x6b: {  	[spmem:s1] =	stream.indirect.scatter.add.f32 [tilespmem:s17], [sflag:$0x2], $0x80, s19, s19, $0xb8;
	[tilespmem:$0x17E80] =	vst v63  }
0x6c: {  	_ =	swait.ge [sflag:s18], $0x4000  }
0x6d: {  	[sflag:s18] =	ssyncset.done $0x0  }
0x6e: {  	[sflag:s18] =	ssyncadd.s32 $0xFFFFC000  }
0x6f: {  	[tilespmem:s21], [sflag:$0x2] =	stream.linear.gather [hbm4b:s11+s2], $0x8, $0x38;
	[tilespmem:$0x17E80] =	vst v63  }
0x70: {  	_ =	swait.ge [sflag:s18], $0x8  }
0x71: {  	[sflag:s18] =	ssyncset.done $0x0  }
0x72: {  	[sflag:s18] =	ssyncadd.s32 $0xFFFFFFF8  }
0x73: {  	[tilespmem:s22], [sflag:$0x2] =	stream.linear.gather [hbm4b:s12+s2], $0x8, $0x38;
	[tilespmem:$0x17E80] =	vst v63  }
0x74: {  	_ =	swait.ge [sflag:s18], $0x8  }
0x75: {  	[sflag:s18] =	ssyncset.done $0x0  }
0x76: {  	[sflag:s18] =	ssyncadd.s32 $0xFFFFFFF8  }
0x77: {  	[tilespmem:s24], [sflag:$0x1] =	stream.indirect.gather [hbm4b:s4+s23], $0x80, s21, s23, $0xb8;
	[tilespmem:$0x17E80] =	vst v63  }
0x78: {  	_ =	swait.ge [sflag:s20], $0x400  }
0x79: {  	[sflag:s20] =	ssyncset.done $0x0  }
0x7a: {  	[sflag:s20] =	ssyncadd.s32 $0xFFFFFC00  }
0x7b: {  	[spmem:s1] =	stream.indirect.scatter.add.f32 [tilespmem:s24], [sflag:$0x2], $0x80, s22, s23, $0xb8;
	[tilespmem:$0x17E80] =	vst v63  }
0x7c: {  	_ =	swait.ge [sflag:s18], $0x400  }
0x7d: {  	[sflag:s18] =	ssyncset.done $0x0  }
0x7e: {  	s30 =	sshll.u32 s3, $0x6;
	[sflag:s18] =	ssyncadd.s32 $0xFFFFFC00  }
0x7f: {  	s31 =	sshrl.u32 s5, $0x3;
	s0 =	sor.u32 $0x1C02, s30;
	[bflag:$0x0] =	sbarrier.arrive $0xFFFF  }
0x80: {  	[hbm:s25], [sflag:s0] =	dma.local [spmem:s31], $0x2700  }
0x81: {  	_ =	swait.ge [sflag:s18], $0x2700  }
0x82: {  	s28 =	sadd.s32 @!p0 $0x27000, s13;
	s26 =	sadd.s32 $0x1, s26;
	[sflag:s18] =	ssyncset.done $0x0  }
0x83: {  	p1 =	sne.s32 s26, s14;
	s29 =	sshrl.u32 @!p0 s10, $0x3;
	[sflag:s18] =	ssyncadd.s32 $0xFFFFD900  }
0x84: {  	[hbm:s28], [sflag:s0] =	dma.local @!p0 [spmem:s29], $0x100  }
.Ltmp2:
0x85: {  	_ = 	snop;
	(pc) =	sbr.rel @p1 .LBB2_1-.Ltmp2, $4  }
0x86: {  	s0 =	simm.s32 @!p0 $0x2  }
0x87: {  	_ =	swait.ge @!p0 [sflag:s0], $0x100  }
0x88: {  	[sflag:s0] =	ssyncset.done @!p0 $0x0  }
0x89: {  	[sflag:s0] =	ssyncadd.s32 @!p0 $0xFFFFFF00  }
0x8a: {  	_ =	sfence.sel $0x180000  }
0x8b: {  	[bflag:$0x0] =	sbarrier.arrive $0xFFFF  }
0x8c: {  	_ =	strace $0x90000047  }
0x8d: {  	[bflag:$0x2] =	sbarrier.arrive $0xFFFF  }
0x8e: {  	p0 =	sne.s32 s3, $0x0;
	s0 =	rddreg [dreg:$0x2]  }
0x8f: {  	s0 =	sadd.s32 @!p0 $0x100000, s0  }
0x90: {  	[sflag:s0] =	ssyncadd.tile.s32 @!p0 $0x1;
	_ =	shalt  }
.Lfunc_end2:
_tile_overlayer_lowered:
.L_overlay_start_2:
0x91: {  	(tag) =	ssettag $0x2  }
0x92: {  	s0 =	rddreg [dreg:$0x0];
	s2 =	stileid.u32  }
0x93: {  	s1 =	rddreg [dreg:$0x1];
	p0 =	sne.s32 s2, $0x0  }
0x94: {  	s3 =	rddreg [dreg:$0x2];
	[bflag:$0x3] =	sbarrier.arrive $0xFFFF;
	s2 =	simm.s32 @!p0 $0x1C02  }
0x95: {  	[timem:s3], [sflag:s2] =	dma.local @!p0 [hbm:s0], s1  }
0x96: {  	s0 =	simm.s32 @!p0 $0x2  }
0x97: {  	_ =	swait.ge @!p0 [sflag:s0], s1  }
0x98: {  	s1 =	ssub.s32 @!p0 $0x0, s1;
	[sflag:s0] =	ssyncset.done @!p0 $0x0  }
0x99: {  	[sflag:s0] =	ssyncadd.s32 @!p0 s1  }
0x9a: {  	[bflag:$0x3] =	sbarrier.arrive $0xFFFF  }
0x9b: {  	_ =	shalt  }

</sc_bundles>
